<compile_context>
chip_gen: v7x
topology: tpu7x:2x2x1
jax: 0.10.2.dev20260603
libtpu: 0.0.44.dev20260713+nightly
codegen_flags: <defaults>
</compile_context>

<pallas_src>
import functools

import jax
import jax.numpy as jnp
from jax import lax
from jax.experimental import pallas as pl
from jax.experimental.pallas import tpu as pltpu
from jax.experimental.pallas import tpu_sc as plsc

N = 100000
K = 10000
B = 16384

NC = 2
NS = 16
L = 16
NW = NC * NS
BPW = B // NW
NV = BPW // L


def _body(xt_hbm, i_hbm, dt_hbm, out_hbm,
          idx_v, x_v, d_v, o_v, l_v, w_v,
          sem_i, sem_x, sem_d, sem_o):
    wid = lax.axis_index("s") * NC + lax.axis_index("c")
    base = wid * BPW
    cp_d = pltpu.make_async_copy(dt_hbm, d_v, sem_d)
    cp_d.start()
    cp_i = pltpu.make_async_copy(i_hbm.at[pl.ds(base, BPW)], idx_v, sem_i)
    cp_i.start()
    cp_x = []
    for c in range(3):
        cp = pltpu.make_async_copy(
            xt_hbm.at[pl.ds(c * B + base, BPW)],
            x_v.at[pl.ds(c * BPW, BPW)], sem_x)
        cp.start()
        cp_x.append(cp)

    scale_num = jnp.float32(K - 1)
    scale_den = jnp.float32(N - 1)
    one = jnp.float32(1.0)

    cp_i.wait()

    @plsc.parallel_loop(0, BPW, L, unroll=4)
    def _phase1(s):
        iv = idx_v[pl.ds(s, L)]
        raw = (iv.astype(jnp.float32) * scale_num) / scale_den
        left = raw.astype(jnp.int32)
        leftf = left.astype(jnp.float32)
        exact = raw == leftf
        right = jnp.where(exact, left, left + 1)
        wl = jnp.where(exact, one, raw - leftf)
        l_v[pl.ds(s, L)] = left
        l_v[pl.ds(BPW + s, L)] = right
        w_v[pl.ds(s, L)] = wl

    cp_d.wait()
    for cp in cp_x:
        cp.wait()

    out_copies = []
    for c in range(3):
        coff = c * K
        xoff = c * BPW

        @plsc.parallel_loop(0, BPW, L, unroll=4)
        def _phase2(s):
            wl = w_v[pl.ds(s, L)]
            wr = one - wl
            lf = l_v[pl.ds(s, L)]
            rf = l_v[pl.ds(BPW + s, L)]
            dl = plsc.load_gather(d_v, [lf + coff])
            dr = plsc.load_gather(d_v, [rf + coff])
            xc = x_v[pl.ds(xoff + s, L)]
            o_v[pl.ds(xoff + s, L)] = xc + dl * wl + dr * wr

        cp_o = pltpu.make_async_copy(
            o_v.at[pl.ds(c * BPW, BPW)],
            out_hbm.at[pl.ds(c * B + base, BPW)], sem_o)
        cp_o.start()
        out_copies.append(cp_o)
    for cp_o in out_copies:
        cp_o.wait()


@jax.jit
def kernel(x, i, deltas):
    mesh = plsc.VectorSubcoreMesh(core_axis_name="c", subcore_axis_name="s")
    run = functools.partial(
        pl.kernel,
        mesh=mesh,
        compiler_params=pltpu.CompilerParams(
            needs_layout_passes=False,
            disable_bounds_checks=True,
            skip_device_barrier=True,
        ),
        out_type=jax.ShapeDtypeStruct((3 * B,), jnp.float32),
        scratch_types=[
            pltpu.VMEM((BPW,), jnp.int32),
            pltpu.VMEM((3 * BPW,), jnp.float32),
            pltpu.VMEM((3 * K,), jnp.float32),
            pltpu.VMEM((3 * BPW,), jnp.float32),
            pltpu.VMEM((2 * BPW,), jnp.int32),
            pltpu.VMEM((BPW,), jnp.float32),
            pltpu.SemaphoreType.DMA,
            pltpu.SemaphoreType.DMA,
            pltpu.SemaphoreType.DMA,
            pltpu.SemaphoreType.DMA,
        ],
    )(_body)
    otf = run(x.T.reshape(-1), i, deltas.T.reshape(-1))
    return otf.reshape(3, B).T

# --- scband reference (transcript-rebuilt; emitter-appended) ---
"""Pipeline reference for scband-position-9646496547663 (READ-ONLY COPY).

The authoritative reference and input builder live on the scoring server;
editing this copy changes nothing except your own understanding.
"""

import jax, jax.numpy as jnp
import numpy as np

N = 100000
K = 10000
ALPHA = 100.0
B = 16384

def setup_inputs(seed: int = 0) -> dict:
    key = jax.random.key(seed)
    k1, k2, k3 = jax.random.split(key, 3)
    x = jax.random.normal(k1, (B, 3), dtype=jnp.float32)
    i = jax.random.randint(k2, (B,), 0, N, dtype=jnp.int32)
    # learned parameter: delta table (init zeros in module; randomized here for a non-trivial reference)
    deltas = jax.random.normal(k3, (K, 3), dtype=jnp.float32) * 0.01
    return {"x": x, "i": i, "deltas": deltas}

def reference(x, i, deltas):
    # Position.__call__ with a (batched) pose: adjust pose.x by interpolated deltas indexed by pose.i
    raw = i.astype(jnp.float32) * (K - 1) / (N - 1)
    left = jnp.floor(raw).astype(jnp.int32)
    right = jnp.ceil(raw).astype(jnp.int32)
    d_left = jnp.take(deltas, left, axis=0)
    d_right = jnp.take(deltas, right, axis=0)
    interp = d_left * (raw - left.astype(jnp.float32))[:, None] + d_right * (right.astype(jnp.float32) - raw)[:, None]
    deltas_final = jnp.where((left == right)[:, None], d_left, interp)
    return x + deltas_final

if __name__ == "__main__":
    import jax
    _d = setup_inputs()
    print(jax.jit(kernel)(*tuple(_d.values())))

</pallas_src>

<mosaic_0001>
#map = affine_map<(d0, d1) -> (0)>
module attributes {stable_mosaic.version = 14 : i64} {
  func.func @_body(%arg0: i32, %arg1: i32, %arg2: memref<49152xf32, #tpu.memory_space<hbm>>, %arg3: memref<16384xi32, #tpu.memory_space<hbm>>, %arg4: memref<30000xf32, #tpu.memory_space<hbm>>, %arg5: memref<49152xf32, #tpu.memory_space<hbm>>, %arg6: memref<512xi32, #tpu.memory_space<vmem>>, %arg7: memref<1536xf32, #tpu.memory_space<vmem>>, %arg8: memref<30000xf32, #tpu.memory_space<vmem>>, %arg9: memref<1536xf32, #tpu.memory_space<vmem>>, %arg10: memref<1024xi32, #tpu.memory_space<vmem>>, %arg11: memref<512xf32, #tpu.memory_space<vmem>>, %arg12: memref<!tpu.dma_semaphore, #tpu.memory_space<semaphore_mem>>, %arg13: memref<!tpu.dma_semaphore, #tpu.memory_space<semaphore_mem>>, %arg14: memref<!tpu.dma_semaphore, #tpu.memory_space<semaphore_mem>>, %arg15: memref<!tpu.dma_semaphore, #tpu.memory_space<semaphore_mem>>) attributes {dimension_semantics = [#tpu.dimension_semantics<core_parallel>, #tpu.dimension_semantics<subcore_parallel>], iteration_bounds = array<i64: 2, 16>, scalar_prefetch = 0 : i64, scratch_operands = 10 : i64, tpu.core_type = #tpu.core_type<sc_vector_subcore>, window_params = [{transform_indices = #map}, {transform_indices = #map}, {transform_indices = #map}, {transform_indices = #map}]} {
    %mul3A = arith.constant 2 : i32
    %mul3A_0 = arith.muli %arg1, %mul3A : i32
    %add3A = arith.addi %mul3A_0, %arg0 : i32
    %mul3A_1 = arith.constant 512 : i32
    %mul3A_2 = arith.muli %add3A, %mul3A_1 : i32
    tpu.enqueue_dma source(%arg4 : memref<30000xf32, #tpu.memory_space<hbm>>) target(%arg8 : memref<30000xf32, #tpu.memory_space<vmem>>) target_semaphore(%arg14 : memref<!tpu.dma_semaphore, #tpu.memory_space<semaphore_mem>>)
    %dma_start3A = tpu.memref_slice %arg3[%mul3A_2] : memref<16384xi32, #tpu.memory_space<hbm>> -> memref<512xi32, #tpu.memory_space<hbm>>
    %dma_start3A_3 = tpu.memref_slice %arg3[%mul3A_2] : memref<16384xi32, #tpu.memory_space<hbm>> -> memref<512xi32, #tpu.memory_space<hbm>>
    tpu.enqueue_dma source(%dma_start3A_3 : memref<512xi32, #tpu.memory_space<hbm>>) target(%arg6 : memref<512xi32, #tpu.memory_space<vmem>>) target_semaphore(%arg12 : memref<!tpu.dma_semaphore, #tpu.memory_space<semaphore_mem>>)
    %add3A_4 = arith.constant 0 : i32
    %add3A_5 = arith.addi %add3A_4, %mul3A_2 : i32
    %dma_start3A_6 = arith.constant 0 : i32
    %dma_start3A_7 = tpu.memref_slice %arg7[%dma_start3A_6] : memref<1536xf32, #tpu.memory_space<vmem>> -> memref<512xf32, #tpu.memory_space<vmem>>
    %dma_start3A_8 = tpu.memref_slice %arg2[%add3A_5] : memref<49152xf32, #tpu.memory_space<hbm>> -> memref<512xf32, #tpu.memory_space<hbm>>
    %dma_start3A_9 = arith.constant 0 : i32
    %dma_start3A_10 = tpu.memref_slice %arg7[%dma_start3A_9] : memref<1536xf32, #tpu.memory_space<vmem>> -> memref<512xf32, #tpu.memory_space<vmem>>
    %dma_start3A_11 = tpu.memref_slice %arg2[%add3A_5] : memref<49152xf32, #tpu.memory_space<hbm>> -> memref<512xf32, #tpu.memory_space<hbm>>
    tpu.enqueue_dma source(%dma_start3A_11 : memref<512xf32, #tpu.memory_space<hbm>>) target(%dma_start3A_10 : memref<512xf32, #tpu.memory_space<vmem>>) target_semaphore(%arg13 : memref<!tpu.dma_semaphore, #tpu.memory_space<semaphore_mem>>)
    %add3A_12 = arith.constant 16384 : i32
    %add3A_13 = arith.addi %add3A_12, %mul3A_2 : i32
    %dma_start3A_14 = arith.constant 512 : i32
    %dma_start3A_15 = tpu.memref_slice %arg7[%dma_start3A_14] : memref<1536xf32, #tpu.memory_space<vmem>> -> memref<512xf32, #tpu.memory_space<vmem>>
    %dma_start3A_16 = tpu.memref_slice %arg2[%add3A_13] : memref<49152xf32, #tpu.memory_space<hbm>> -> memref<512xf32, #tpu.memory_space<hbm>>
    %dma_start3A_17 = arith.constant 512 : i32
    %dma_start3A_18 = tpu.memref_slice %arg7[%dma_start3A_17] : memref<1536xf32, #tpu.memory_space<vmem>> -> memref<512xf32, #tpu.memory_space<vmem>>
    %dma_start3A_19 = tpu.memref_slice %arg2[%add3A_13] : memref<49152xf32, #tpu.memory_space<hbm>> -> memref<512xf32, #tpu.memory_space<hbm>>
    tpu.enqueue_dma source(%dma_start3A_19 : memref<512xf32, #tpu.memory_space<hbm>>) target(%dma_start3A_18 : memref<512xf32, #tpu.memory_space<vmem>>) target_semaphore(%arg13 : memref<!tpu.dma_semaphore, #tpu.memory_space<semaphore_mem>>)
    %add3A_20 = arith.constant 32768 : i32
    %add3A_21 = arith.addi %add3A_20, %mul3A_2 : i32
    %dma_start3A_22 = arith.constant 1024 : i32
    %dma_start3A_23 = tpu.memref_slice %arg7[%dma_start3A_22] : memref<1536xf32, #tpu.memory_space<vmem>> -> memref<512xf32, #tpu.memory_space<vmem>>
    %dma_start3A_24 = tpu.memref_slice %arg2[%add3A_21] : memref<49152xf32, #tpu.memory_space<hbm>> -> memref<512xf32, #tpu.memory_space<hbm>>
    %dma_start3A_25 = arith.constant 1024 : i32
    %dma_start3A_26 = tpu.memref_slice %arg7[%dma_start3A_25] : memref<1536xf32, #tpu.memory_space<vmem>> -> memref<512xf32, #tpu.memory_space<vmem>>
    %dma_start3A_27 = tpu.memref_slice %arg2[%add3A_21] : memref<49152xf32, #tpu.memory_space<hbm>> -> memref<512xf32, #tpu.memory_space<hbm>>
    tpu.enqueue_dma source(%dma_start3A_27 : memref<512xf32, #tpu.memory_space<hbm>>) target(%dma_start3A_26 : memref<512xf32, #tpu.memory_space<vmem>>) target_semaphore(%arg13 : memref<!tpu.dma_semaphore, #tpu.memory_space<semaphore_mem>>)
    %dma_wait3A = tpu.memref_slice %arg3[%mul3A_2] : memref<16384xi32, #tpu.memory_space<hbm>> -> memref<512xi32, #tpu.memory_space<hbm>>
    %dma_wait3A_28 = tpu.memref_slice %arg3[%mul3A_2] : memref<16384xi32, #tpu.memory_space<hbm>> -> memref<512xi32, #tpu.memory_space<hbm>>
    tpu.wait_dma2 semaphore(%arg12 : memref<!tpu.dma_semaphore, #tpu.memory_space<semaphore_mem>>) src(%dma_wait3A_28 : memref<512xi32, #tpu.memory_space<hbm>>) dst(%arg6 : memref<512xi32, #tpu.memory_space<vmem>>)
    %parallel_loop3A = arith.constant 0 : i32
    %parallel_loop3A_29 = arith.constant 512 : i32
    %parallel_loop3A_30 = arith.constant 16 : i32
    %parallel_loop3A_31 = arith.constant 9.999000e+03 : f32
    %parallel_loop3A_32 = arith.constant 9.999900e+04 : f32
    %parallel_loop3A_33 = arith.constant 1.000000e+00 : f32
    scf.for %parallel_loop3A_106 = %parallel_loop3A to %parallel_loop3A_29 step %parallel_loop3A_30  : i32 {
      %parallel_loop3A_107 = arith.index_cast %parallel_loop3A_106 : i32 to index
      %parallel_loop3A_108 = tpu.vector_load %arg6[%parallel_loop3A_107] {strides = array<i32>} : memref<512xi32, #tpu.memory_space<vmem>>, vector<16xi32>,
      %parallel_loop3A_109 = arith.sitofp %parallel_loop3A_108 : vector<16xi32> to vector<16xf32>
      %parallel_loop3A_110 = vector.broadcast %parallel_loop3A_31 : f32 to vector<16xf32>
      %parallel_loop3A_111 = arith.mulf %parallel_loop3A_109, %parallel_loop3A_110 : vector<16xf32>
      %parallel_loop3A_112 = vector.broadcast %parallel_loop3A_32 : f32 to vector<16xf32>
      %parallel_loop3A_113 = arith.divf %parallel_loop3A_111, %parallel_loop3A_112 : vector<16xf32>
      %parallel_loop3A_114 = arith.fptosi %parallel_loop3A_113 : vector<16xf32> to vector<16xi32>
      %parallel_loop3A_115 = arith.sitofp %parallel_loop3A_114 : vector<16xi32> to vector<16xf32>
      %parallel_loop3A_116 = arith.cmpf oeq, %parallel_loop3A_113, %parallel_loop3A_115 : vector<16xf32>
      %parallel_loop3A_117 = arith.constant 1 : i32
      %parallel_loop3A_118 = vector.broadcast %parallel_loop3A_117 : i32 to vector<16xi32>
      %parallel_loop3A_119 = arith.addi %parallel_loop3A_114, %parallel_loop3A_118 : vector<16xi32>
      %parallel_loop3A_120 = arith.select %parallel_loop3A_116, %parallel_loop3A_114, %parallel_loop3A_119 : vector<16xi1>, vector<16xi32>
      %parallel_loop3A_121 = arith.subf %parallel_loop3A_113, %parallel_loop3A_115 : vector<16xf32>
      %parallel_loop3A_122 = vector.broadcast %parallel_loop3A_33 : f32 to vector<16xf32>
      %parallel_loop3A_123 = arith.select %parallel_loop3A_116, %parallel_loop3A_122, %parallel_loop3A_121 : vector<16xi1>, vector<16xf32>
      %parallel_loop3A_124 = arith.index_cast %parallel_loop3A_106 : i32 to index
      %parallel_loop3A_125 = tpu.vector_load %arg10[%parallel_loop3A_124] {strides = array<i32>} : memref<1024xi32, #tpu.memory_space<vmem>>, vector<16xi32>,
      tpu.vector_store %arg10[%parallel_loop3A_124], %parallel_loop3A_114 {strides = array<i32>} : memref<1024xi32, #tpu.memory_space<vmem>>, vector<16xi32>,
      %parallel_loop3A_126 = arith.constant 512 : i32
      %parallel_loop3A_127 = arith.addi %parallel_loop3A_126, %parallel_loop3A_106 : i32
      %parallel_loop3A_128 = arith.index_cast %parallel_loop3A_127 : i32 to index
      %parallel_loop3A_129 = tpu.vector_load %arg10[%parallel_loop3A_128] {strides = array<i32>} : memref<1024xi32, #tpu.memory_space<vmem>>, vector<16xi32>,
      tpu.vector_store %arg10[%parallel_loop3A_128], %parallel_loop3A_120 {strides = array<i32>} : memref<1024xi32, #tpu.memory_space<vmem>>, vector<16xi32>,
      %parallel_loop3A_130 = arith.index_cast %parallel_loop3A_106 : i32 to index
      %parallel_loop3A_131 = tpu.vector_load %arg11[%parallel_loop3A_130] {strides = array<i32>} : memref<512xf32, #tpu.memory_space<vmem>>, vector<16xf32>,
      tpu.vector_store %arg11[%parallel_loop3A_130], %parallel_loop3A_123 {strides = array<i32>} : memref<512xf32, #tpu.memory_space<vmem>>, vector<16xf32>,
    } {sc.loop_unroll_factor = 4 : i64, sc.parallel_access}
    tpu.wait_dma2 semaphore(%arg14 : memref<!tpu.dma_semaphore, #tpu.memory_space<semaphore_mem>>) src(%arg4 : memref<30000xf32, #tpu.memory_space<hbm>>) dst(%arg8 : memref<30000xf32, #tpu.memory_space<vmem>>)
    %dma_wait3A_34 = arith.constant 0 : i32
    %dma_wait3A_35 = tpu.memref_slice %arg7[%dma_wait3A_34] : memref<1536xf32, #tpu.memory_space<vmem>> -> memref<512xf32, #tpu.memory_space<vmem>>
    %dma_wait3A_36 = tpu.memref_slice %arg2[%add3A_5] : memref<49152xf32, #tpu.memory_space<hbm>> -> memref<512xf32, #tpu.memory_space<hbm>>
    %dma_wait3A_37 = arith.constant 0 : i32
    %dma_wait3A_38 = tpu.memref_slice %arg7[%dma_wait3A_37] : memref<1536xf32, #tpu.memory_space<vmem>> -> memref<512xf32, #tpu.memory_space<vmem>>
    %dma_wait3A_39 = tpu.memref_slice %arg2[%add3A_5] : memref<49152xf32, #tpu.memory_space<hbm>> -> memref<512xf32, #tpu.memory_space<hbm>>
    tpu.wait_dma2 semaphore(%arg13 : memref<!tpu.dma_semaphore, #tpu.memory_space<semaphore_mem>>) src(%dma_wait3A_39 : memref<512xf32, #tpu.memory_space<hbm>>) dst(%dma_wait3A_38 : memref<512xf32, #tpu.memory_space<vmem>>)
    %dma_wait3A_40 = arith.constant 512 : i32
    %dma_wait3A_41 = tpu.memref_slice %arg7[%dma_wait3A_40] : memref<1536xf32, #tpu.memory_space<vmem>> -> memref<512xf32, #tpu.memory_space<vmem>>
    %dma_wait3A_42 = tpu.memref_slice %arg2[%add3A_13] : memref<49152xf32, #tpu.memory_space<hbm>> -> memref<512xf32, #tpu.memory_space<hbm>>
    %dma_wait3A_43 = arith.constant 512 : i32
    %dma_wait3A_44 = tpu.memref_slice %arg7[%dma_wait3A_43] : memref<1536xf32, #tpu.memory_space<vmem>> -> memref<512xf32, #tpu.memory_space<vmem>>
    %dma_wait3A_45 = tpu.memref_slice %arg2[%add3A_13] : memref<49152xf32, #tpu.memory_space<hbm>> -> memref<512xf32, #tpu.memory_space<hbm>>
    tpu.wait_dma2 semaphore(%arg13 : memref<!tpu.dma_semaphore, #tpu.memory_space<semaphore_mem>>) src(%dma_wait3A_45 : memref<512xf32, #tpu.memory_space<hbm>>) dst(%dma_wait3A_44 : memref<512xf32, #tpu.memory_space<vmem>>)
    %dma_wait3A_46 = arith.constant 1024 : i32
    %dma_wait3A_47 = tpu.memref_slice %arg7[%dma_wait3A_46] : memref<1536xf32, #tpu.memory_space<vmem>> -> memref<512xf32, #tpu.memory_space<vmem>>
    %dma_wait3A_48 = tpu.memref_slice %arg2[%add3A_21] : memref<49152xf32, #tpu.memory_space<hbm>> -> memref<512xf32, #tpu.memory_space<hbm>>
    %dma_wait3A_49 = arith.constant 1024 : i32
    %dma_wait3A_50 = tpu.memref_slice %arg7[%dma_wait3A_49] : memref<1536xf32, #tpu.memory_space<vmem>> -> memref<512xf32, #tpu.memory_space<vmem>>
    %dma_wait3A_51 = tpu.memref_slice %arg2[%add3A_21] : memref<49152xf32, #tpu.memory_space<hbm>> -> memref<512xf32, #tpu.memory_space<hbm>>
    tpu.wait_dma2 semaphore(%arg13 : memref<!tpu.dma_semaphore, #tpu.memory_space<semaphore_mem>>) src(%dma_wait3A_51 : memref<512xf32, #tpu.memory_space<hbm>>) dst(%dma_wait3A_50 : memref<512xf32, #tpu.memory_space<vmem>>)
    %parallel_loop3A_52 = arith.constant 0 : i32
    %parallel_loop3A_53 = arith.constant 512 : i32
    %parallel_loop3A_54 = arith.constant 16 : i32
    %parallel_loop3A_55 = arith.constant 1.000000e+00 : f32
    scf.for %parallel_loop3A_106 = %parallel_loop3A_52 to %parallel_loop3A_53 step %parallel_loop3A_54  : i32 {
      %parallel_loop3A_107 = arith.index_cast %parallel_loop3A_106 : i32 to index
      %parallel_loop3A_108 = tpu.vector_load %arg11[%parallel_loop3A_107] {strides = array<i32>} : memref<512xf32, #tpu.memory_space<vmem>>, vector<16xf32>,
      %parallel_loop3A_109 = vector.broadcast %parallel_loop3A_55 : f32 to vector<16xf32>
      %parallel_loop3A_110 = arith.subf %parallel_loop3A_109, %parallel_loop3A_108 : vector<16xf32>
      %parallel_loop3A_111 = arith.index_cast %parallel_loop3A_106 : i32 to index
      %parallel_loop3A_112 = tpu.vector_load %arg10[%parallel_loop3A_111] {strides = array<i32>} : memref<1024xi32, #tpu.memory_space<vmem>>, vector<16xi32>,
      %parallel_loop3A_113 = arith.constant 512 : i32
      %parallel_loop3A_114 = arith.addi %parallel_loop3A_113, %parallel_loop3A_106 : i32
      %parallel_loop3A_115 = arith.index_cast %parallel_loop3A_114 : i32 to index
      %parallel_loop3A_116 = tpu.vector_load %arg10[%parallel_loop3A_115] {strides = array<i32>} : memref<1024xi32, #tpu.memory_space<vmem>>, vector<16xi32>,
      %parallel_loop3A_117 = arith.constant 0 : i32
      %parallel_loop3A_118 = vector.broadcast %parallel_loop3A_117 : i32 to vector<16xi32>
      %parallel_loop3A_119 = arith.addi %parallel_loop3A_112, %parallel_loop3A_118 : vector<16xi32>
      %parallel_loop3A_120 = tpu.vector_load_idx %arg8[%parallel_loop3A_119] : memref<30000xf32, #tpu.memory_space<vmem>>[vector<16xi32>], vector<16xf32>,
      %parallel_loop3A_121 = arith.constant 0 : i32
      %parallel_loop3A_122 = vector.broadcast %parallel_loop3A_121 : i32 to vector<16xi32>
      %parallel_loop3A_123 = arith.addi %parallel_loop3A_116, %parallel_loop3A_122 : vector<16xi32>
      %parallel_loop3A_124 = tpu.vector_load_idx %arg8[%parallel_loop3A_123] : memref<30000xf32, #tpu.memory_space<vmem>>[vector<16xi32>], vector<16xf32>,
      %parallel_loop3A_125 = arith.constant 0 : i32
      %parallel_loop3A_126 = arith.addi %parallel_loop3A_125, %parallel_loop3A_106 : i32
      %parallel_loop3A_127 = arith.index_cast %parallel_loop3A_126 : i32 to index
      %parallel_loop3A_128 = tpu.vector_load %arg7[%parallel_loop3A_127] {strides = array<i32>} : memref<1536xf32, #tpu.memory_space<vmem>>, vector<16xf32>,
      %parallel_loop3A_129 = arith.mulf %parallel_loop3A_120, %parallel_loop3A_108 : vector<16xf32>
      %parallel_loop3A_130 = arith.addf %parallel_loop3A_128, %parallel_loop3A_129 : vector<16xf32>
      %parallel_loop3A_131 = arith.mulf %parallel_loop3A_124, %parallel_loop3A_110 : vector<16xf32>
      %parallel_loop3A_132 = arith.addf %parallel_loop3A_130, %parallel_loop3A_131 : vector<16xf32>
      %parallel_loop3A_133 = arith.constant 0 : i32
      %parallel_loop3A_134 = arith.addi %parallel_loop3A_133, %parallel_loop3A_106 : i32
      %parallel_loop3A_135 = arith.index_cast %parallel_loop3A_134 : i32 to index
      %parallel_loop3A_136 = tpu.vector_load %arg9[%parallel_loop3A_135] {strides = array<i32>} : memref<1536xf32, #tpu.memory_space<vmem>>, vector<16xf32>,
      tpu.vector_store %arg9[%parallel_loop3A_135], %parallel_loop3A_132 {strides = array<i32>} : memref<1536xf32, #tpu.memory_space<vmem>>, vector<16xf32>,
    } {sc.loop_unroll_factor = 4 : i64, sc.parallel_access}
    %add3A_56 = arith.constant 0 : i32
    %add3A_57 = arith.addi %add3A_56, %mul3A_2 : i32
    %dma_start3A_58 = arith.constant 0 : i32
    %dma_start3A_59 = tpu.memref_slice %arg9[%dma_start3A_58] : memref<1536xf32, #tpu.memory_space<vmem>> -> memref<512xf32, #tpu.memory_space<vmem>>
    %dma_start3A_60 = tpu.memref_slice %arg5[%add3A_57] : memref<49152xf32, #tpu.memory_space<hbm>> -> memref<512xf32, #tpu.memory_space<hbm>>
    %dma_start3A_61 = tpu.memref_slice %arg5[%add3A_57] : memref<49152xf32, #tpu.memory_space<hbm>> -> memref<512xf32, #tpu.memory_space<hbm>>
    %dma_start3A_62 = arith.constant 0 : i32
    %dma_start3A_63 = tpu.memref_slice %arg9[%dma_start3A_62] : memref<1536xf32, #tpu.memory_space<vmem>> -> memref<512xf32, #tpu.memory_space<vmem>>
    tpu.enqueue_dma source(%dma_start3A_63 : memref<512xf32, #tpu.memory_space<vmem>>) target(%dma_start3A_61 : memref<512xf32, #tpu.memory_space<hbm>>) target_semaphore(%arg15 : memref<!tpu.dma_semaphore, #tpu.memory_space<semaphore_mem>>)
    %parallel_loop3A_64 = arith.constant 0 : i32
    %parallel_loop3A_65 = arith.constant 512 : i32
    %parallel_loop3A_66 = arith.constant 16 : i32
    %parallel_loop3A_67 = arith.constant 1.000000e+00 : f32
    scf.for %parallel_loop3A_106 = %parallel_loop3A_64 to %parallel_loop3A_65 step %parallel_loop3A_66  : i32 {
      %parallel_loop3A_107 = arith.index_cast %parallel_loop3A_106 : i32 to index
      %parallel_loop3A_108 = tpu.vector_load %arg11[%parallel_loop3A_107] {strides = array<i32>} : memref<512xf32, #tpu.memory_space<vmem>>, vector<16xf32>,
      %parallel_loop3A_109 = vector.broadcast %parallel_loop3A_67 : f32 to vector<16xf32>
      %parallel_loop3A_110 = arith.subf %parallel_loop3A_109, %parallel_loop3A_108 : vector<16xf32>
      %parallel_loop3A_111 = arith.index_cast %parallel_loop3A_106 : i32 to index
      %parallel_loop3A_112 = tpu.vector_load %arg10[%parallel_loop3A_111] {strides = array<i32>} : memref<1024xi32, #tpu.memory_space<vmem>>, vector<16xi32>,
      %parallel_loop3A_113 = arith.constant 512 : i32
      %parallel_loop3A_114 = arith.addi %parallel_loop3A_113, %parallel_loop3A_106 : i32
      %parallel_loop3A_115 = arith.index_cast %parallel_loop3A_114 : i32 to index
      %parallel_loop3A_116 = tpu.vector_load %arg10[%parallel_loop3A_115] {strides = array<i32>} : memref<1024xi32, #tpu.memory_space<vmem>>, vector<16xi32>,
      %parallel_loop3A_117 = arith.constant 10000 : i32
      %parallel_loop3A_118 = vector.broadcast %parallel_loop3A_117 : i32 to vector<16xi32>
      %parallel_loop3A_119 = arith.addi %parallel_loop3A_112, %parallel_loop3A_118 : vector<16xi32>
      %parallel_loop3A_120 = tpu.vector_load_idx %arg8[%parallel_loop3A_119] : memref<30000xf32, #tpu.memory_space<vmem>>[vector<16xi32>], vector<16xf32>,
      %parallel_loop3A_121 = arith.constant 10000 : i32
      %parallel_loop3A_122 = vector.broadcast %parallel_loop3A_121 : i32 to vector<16xi32>
      %parallel_loop3A_123 = arith.addi %parallel_loop3A_116, %parallel_loop3A_122 : vector<16xi32>
      %parallel_loop3A_124 = tpu.vector_load_idx %arg8[%parallel_loop3A_123] : memref<30000xf32, #tpu.memory_space<vmem>>[vector<16xi32>], vector<16xf32>,
      %parallel_loop3A_125 = arith.constant 512 : i32
      %parallel_loop3A_126 = arith.addi %parallel_loop3A_125, %parallel_loop3A_106 : i32
      %parallel_loop3A_127 = arith.index_cast %parallel_loop3A_126 : i32 to index
      %parallel_loop3A_128 = tpu.vector_load %arg7[%parallel_loop3A_127] {strides = array<i32>} : memref<1536xf32, #tpu.memory_space<vmem>>, vector<16xf32>,
      %parallel_loop3A_129 = arith.mulf %parallel_loop3A_120, %parallel_loop3A_108 : vector<16xf32>
      %parallel_loop3A_130 = arith.addf %parallel_loop3A_128, %parallel_loop3A_129 : vector<16xf32>
      %parallel_loop3A_131 = arith.mulf %parallel_loop3A_124, %parallel_loop3A_110 : vector<16xf32>
      %parallel_loop3A_132 = arith.addf %parallel_loop3A_130, %parallel_loop3A_131 : vector<16xf32>
      %parallel_loop3A_133 = arith.constant 512 : i32
      %parallel_loop3A_134 = arith.addi %parallel_loop3A_133, %parallel_loop3A_106 : i32
      %parallel_loop3A_135 = arith.index_cast %parallel_loop3A_134 : i32 to index
      %parallel_loop3A_136 = tpu.vector_load %arg9[%parallel_loop3A_135] {strides = array<i32>} : memref<1536xf32, #tpu.memory_space<vmem>>, vector<16xf32>,
      tpu.vector_store %arg9[%parallel_loop3A_135], %parallel_loop3A_132 {strides = array<i32>} : memref<1536xf32, #tpu.memory_space<vmem>>, vector<16xf32>,
    } {sc.loop_unroll_factor = 4 : i64, sc.parallel_access}
    %add3A_68 = arith.constant 16384 : i32
    %add3A_69 = arith.addi %add3A_68, %mul3A_2 : i32
    %dma_start3A_70 = arith.constant 512 : i32
    %dma_start3A_71 = tpu.memref_slice %arg9[%dma_start3A_70] : memref<1536xf32, #tpu.memory_space<vmem>> -> memref<512xf32, #tpu.memory_space<vmem>>
    %dma_start3A_72 = tpu.memref_slice %arg5[%add3A_69] : memref<49152xf32, #tpu.memory_space<hbm>> -> memref<512xf32, #tpu.memory_space<hbm>>
    %dma_start3A_73 = tpu.memref_slice %arg5[%add3A_69] : memref<49152xf32, #tpu.memory_space<hbm>> -> memref<512xf32, #tpu.memory_space<hbm>>
    %dma_start3A_74 = arith.constant 512 : i32
    %dma_start3A_75 = tpu.memref_slice %arg9[%dma_start3A_74] : memref<1536xf32, #tpu.memory_space<vmem>> -> memref<512xf32, #tpu.memory_space<vmem>>
    tpu.enqueue_dma source(%dma_start3A_75 : memref<512xf32, #tpu.memory_space<vmem>>) target(%dma_start3A_73 : memref<512xf32, #tpu.memory_space<hbm>>) target_semaphore(%arg15 : memref<!tpu.dma_semaphore, #tpu.memory_space<semaphore_mem>>)
    %parallel_loop3A_76 = arith.constant 0 : i32
    %parallel_loop3A_77 = arith.constant 512 : i32
    %parallel_loop3A_78 = arith.constant 16 : i32
    %parallel_loop3A_79 = arith.constant 1.000000e+00 : f32
    scf.for %parallel_loop3A_106 = %parallel_loop3A_76 to %parallel_loop3A_77 step %parallel_loop3A_78  : i32 {
      %parallel_loop3A_107 = arith.index_cast %parallel_loop3A_106 : i32 to index
      %parallel_loop3A_108 = tpu.vector_load %arg11[%parallel_loop3A_107] {strides = array<i32>} : memref<512xf32, #tpu.memory_space<vmem>>, vector<16xf32>,
      %parallel_loop3A_109 = vector.broadcast %parallel_loop3A_79 : f32 to vector<16xf32>
      %parallel_loop3A_110 = arith.subf %parallel_loop3A_109, %parallel_loop3A_108 : vector<16xf32>
      %parallel_loop3A_111 = arith.index_cast %parallel_loop3A_106 : i32 to index
      %parallel_loop3A_112 = tpu.vector_load %arg10[%parallel_loop3A_111] {strides = array<i32>} : memref<1024xi32, #tpu.memory_space<vmem>>, vector<16xi32>,
      %parallel_loop3A_113 = arith.constant 512 : i32
      %parallel_loop3A_114 = arith.addi %parallel_loop3A_113, %parallel_loop3A_106 : i32
      %parallel_loop3A_115 = arith.index_cast %parallel_loop3A_114 : i32 to index
      %parallel_loop3A_116 = tpu.vector_load %arg10[%parallel_loop3A_115] {strides = array<i32>} : memref<1024xi32, #tpu.memory_space<vmem>>, vector<16xi32>,
      %parallel_loop3A_117 = arith.constant 20000 : i32
      %parallel_loop3A_118 = vector.broadcast %parallel_loop3A_117 : i32 to vector<16xi32>
      %parallel_loop3A_119 = arith.addi %parallel_loop3A_112, %parallel_loop3A_118 : vector<16xi32>
      %parallel_loop3A_120 = tpu.vector_load_idx %arg8[%parallel_loop3A_119] : memref<30000xf32, #tpu.memory_space<vmem>>[vector<16xi32>], vector<16xf32>,
      %parallel_loop3A_121 = arith.constant 20000 : i32
      %parallel_loop3A_122 = vector.broadcast %parallel_loop3A_121 : i32 to vector<16xi32>
      %parallel_loop3A_123 = arith.addi %parallel_loop3A_116, %parallel_loop3A_122 : vector<16xi32>
      %parallel_loop3A_124 = tpu.vector_load_idx %arg8[%parallel_loop3A_123] : memref<30000xf32, #tpu.memory_space<vmem>>[vector<16xi32>], vector<16xf32>,
      %parallel_loop3A_125 = arith.constant 1024 : i32
      %parallel_loop3A_126 = arith.addi %parallel_loop3A_125, %parallel_loop3A_106 : i32
      %parallel_loop3A_127 = arith.index_cast %parallel_loop3A_126 : i32 to index
      %parallel_loop3A_128 = tpu.vector_load %arg7[%parallel_loop3A_127] {strides = array<i32>} : memref<1536xf32, #tpu.memory_space<vmem>>, vector<16xf32>,
      %parallel_loop3A_129 = arith.mulf %parallel_loop3A_120, %parallel_loop3A_108 : vector<16xf32>
      %parallel_loop3A_130 = arith.addf %parallel_loop3A_128, %parallel_loop3A_129 : vector<16xf32>
      %parallel_loop3A_131 = arith.mulf %parallel_loop3A_124, %parallel_loop3A_110 : vector<16xf32>
      %parallel_loop3A_132 = arith.addf %parallel_loop3A_130, %parallel_loop3A_131 : vector<16xf32>
      %parallel_loop3A_133 = arith.constant 1024 : i32
      %parallel_loop3A_134 = arith.addi %parallel_loop3A_133, %parallel_loop3A_106 : i32
      %parallel_loop3A_135 = arith.index_cast %parallel_loop3A_134 : i32 to index
      %parallel_loop3A_136 = tpu.vector_load %arg9[%parallel_loop3A_135] {strides = array<i32>} : memref<1536xf32, #tpu.memory_space<vmem>>, vector<16xf32>,
      tpu.vector_store %arg9[%parallel_loop3A_135], %parallel_loop3A_132 {strides = array<i32>} : memref<1536xf32, #tpu.memory_space<vmem>>, vector<16xf32>,
    } {sc.loop_unroll_factor = 4 : i64, sc.parallel_access}
    %add3A_80 = arith.constant 32768 : i32
    %add3A_81 = arith.addi %add3A_80, %mul3A_2 : i32
    %dma_start3A_82 = arith.constant 1024 : i32
    %dma_start3A_83 = tpu.memref_slice %arg9[%dma_start3A_82] : memref<1536xf32, #tpu.memory_space<vmem>> -> memref<512xf32, #tpu.memory_space<vmem>>
    %dma_start3A_84 = tpu.memref_slice %arg5[%add3A_81] : memref<49152xf32, #tpu.memory_space<hbm>> -> memref<512xf32, #tpu.memory_space<hbm>>
    %dma_start3A_85 = tpu.memref_slice %arg5[%add3A_81] : memref<49152xf32, #tpu.memory_space<hbm>> -> memref<512xf32, #tpu.memory_space<hbm>>
    %dma_start3A_86 = arith.constant 1024 : i32
    %dma_start3A_87 = tpu.memref_slice %arg9[%dma_start3A_86] : memref<1536xf32, #tpu.memory_space<vmem>> -> memref<512xf32, #tpu.memory_space<vmem>>
    tpu.enqueue_dma source(%dma_start3A_87 : memref<512xf32, #tpu.memory_space<vmem>>) target(%dma_start3A_85 : memref<512xf32, #tpu.memory_space<hbm>>) target_semaphore(%arg15 : memref<!tpu.dma_semaphore, #tpu.memory_space<semaphore_mem>>)
    %dma_wait3A_88 = arith.constant 0 : i32
    %dma_wait3A_89 = tpu.memref_slice %arg9[%dma_wait3A_88] : memref<1536xf32, #tpu.memory_space<vmem>> -> memref<512xf32, #tpu.memory_space<vmem>>
    %dma_wait3A_90 = tpu.memref_slice %arg5[%add3A_57] : memref<49152xf32, #tpu.memory_space<hbm>> -> memref<512xf32, #tpu.memory_space<hbm>>
    %dma_wait3A_91 = tpu.memref_slice %arg5[%add3A_57] : memref<49152xf32, #tpu.memory_space<hbm>> -> memref<512xf32, #tpu.memory_space<hbm>>
    %dma_wait3A_92 = arith.constant 0 : i32
    %dma_wait3A_93 = tpu.memref_slice %arg9[%dma_wait3A_92] : memref<1536xf32, #tpu.memory_space<vmem>> -> memref<512xf32, #tpu.memory_space<vmem>>
    tpu.wait_dma2 semaphore(%arg15 : memref<!tpu.dma_semaphore, #tpu.memory_space<semaphore_mem>>) src(%dma_wait3A_93 : memref<512xf32, #tpu.memory_space<vmem>>) dst(%dma_wait3A_91 : memref<512xf32, #tpu.memory_space<hbm>>)
    %dma_wait3A_94 = arith.constant 512 : i32
    %dma_wait3A_95 = tpu.memref_slice %arg9[%dma_wait3A_94] : memref<1536xf32, #tpu.memory_space<vmem>> -> memref<512xf32, #tpu.memory_space<vmem>>
    %dma_wait3A_96 = tpu.memref_slice %arg5[%add3A_69] : memref<49152xf32, #tpu.memory_space<hbm>> -> memref<512xf32, #tpu.memory_space<hbm>>
    %dma_wait3A_97 = tpu.memref_slice %arg5[%add3A_69] : memref<49152xf32, #tpu.memory_space<hbm>> -> memref<512xf32, #tpu.memory_space<hbm>>
    %dma_wait3A_98 = arith.constant 512 : i32
    %dma_wait3A_99 = tpu.memref_slice %arg9[%dma_wait3A_98] : memref<1536xf32, #tpu.memory_space<vmem>> -> memref<512xf32, #tpu.memory_space<vmem>>
    tpu.wait_dma2 semaphore(%arg15 : memref<!tpu.dma_semaphore, #tpu.memory_space<semaphore_mem>>) src(%dma_wait3A_99 : memref<512xf32, #tpu.memory_space<vmem>>) dst(%dma_wait3A_97 : memref<512xf32, #tpu.memory_space<hbm>>)
    %dma_wait3A_100 = arith.constant 1024 : i32
    %dma_wait3A_101 = tpu.memref_slice %arg9[%dma_wait3A_100] : memref<1536xf32, #tpu.memory_space<vmem>> -> memref<512xf32, #tpu.memory_space<vmem>>
    %dma_wait3A_102 = tpu.memref_slice %arg5[%add3A_81] : memref<49152xf32, #tpu.memory_space<hbm>> -> memref<512xf32, #tpu.memory_space<hbm>>
    %dma_wait3A_103 = tpu.memref_slice %arg5[%add3A_81] : memref<49152xf32, #tpu.memory_space<hbm>> -> memref<512xf32, #tpu.memory_space<hbm>>
    %dma_wait3A_104 = arith.constant 1024 : i32
    %dma_wait3A_105 = tpu.memref_slice %arg9[%dma_wait3A_104] : memref<1536xf32, #tpu.memory_space<vmem>> -> memref<512xf32, #tpu.memory_space<vmem>>
    tpu.wait_dma2 semaphore(%arg15 : memref<!tpu.dma_semaphore, #tpu.memory_space<semaphore_mem>>) src(%dma_wait3A_105 : memref<512xf32, #tpu.memory_space<vmem>>) dst(%dma_wait3A_103 : memref<512xf32, #tpu.memory_space<hbm>>)
    return
  }
}

</mosaic_0001>

<sc_bundles>
// kernel: kernel.3.cloned.1.call-start
scs
__scs_entry_jumppad:
0x0: {  	(pc) =	sbr.rel $0x88, $3  }
0x1: {  	(tag) =	ssettag $0x0;
	lr =	simm.s32 $0x1  }
0x2: {  	[smem:$0x3F9E] =	sst lr;
	_ =	strace $0xD0000000  }
0x3: {  	_ = 	snop  }
0x4: {  	_ = 	snop  }
0x5: {  	_ = 	snop  }
0x6: {  	_ = 	snop  }
0x7: {  	_ = 	snop  }
__scs_overlays_trampoline_lowered:
0x8: {  	[smem:$0x3FAD] =	sst s0  }
0x9: {  	[smem:$0x3FAE] =	sst s1  }
0xa: {  	[smem:$0x3FAF] =	sst s2  }
0xb: {  	[smem:$0x3FB0] =	sst s3  }
0xc: {  	[smem:$0x3FB1] =	sst s4  }
0xd: {  	[smem:$0x3FB2] =	sst s5  }
0xe: {  	[smem:$0x3FB3] =	sst s6  }
0xf: {  	[smem:$0x3FB4] =	sst s7  }
0x10: {  	[smem:$0x3FB5] =	sst s8  }
0x11: {  	[smem:$0x3FB6] =	sst s9;
	s0 =	simm.s32 @!p0 $0x0  }
0x12: {  	s1 =	sld [smem:$0x3F9C];
	s0 =	simm.s32 @p0 $0x1  }
0x13: {  	[smem:$0x3FB7] =	sst s0;
	s0 =	simm.s32 @!p1 $0x0  }
0x14: {  	s2 =	sld [smem:$0x3F9B];
	s0 =	simm.s32 @p1 $0x1  }
0x15: {  	[smem:$0x3FB8] =	sst s0;
	s0 =	simm.s32 @!p2 $0x0  }
0x16: {  	s3 =	sld [smem:$0x3FDB];
	s0 =	simm.s32 @p2 $0x1  }
0x17: {  	s4 =	simm.s32 $0x1BF5;
	[smem:$0x3FBA] =	sst s0  }
0x18: {  	s0 =	sld [smem:$0x3F9D];
	_ =	swait.ge [sflag:s4], $0x0  }
0x19: {  	s7 =	sld [smem:$0x3F9E]  }
0x1a: {  	s8 =	sadd.s32 $0xFFFFE003, lr  }
0x1b: {  	s9 =	sadd.s32 $0xFFFFFEF7, lr;
	s5 =	simm.s32 $0xFFFFFFFF;
	p2 =	slt.u32 s8, $0xFFFFF086  }
0x1c: {  	p1 =	slt.u32 s9, $0xF7A;
	s5 =	simm.s32 @!p2 $0x0  }
0x1d: {  	s5 =	simm.s32 @p1 $0x1;
	p0 =	seq.s32 s7, s2  }
0x1e: {  	s7 =	smul.u32 @!p0 $0xF7A, s2;
	p2 =	seq.s32 @!p0 s5, $0x0  }
0x1f: {  	s9 =	smul.u32 $0xF7A, s1;
	s8 =	simm.s32 @!p0 $0x1BF5;
	p2 =	por !p2, p0  }
0x20: {  	[sflag:s8] =	ssyncset.s32 @!p0 $0xFFFFF086;
	s6 =	sadd.s32 @!p0 s3, s7;
	s7 =	simm.s32 @!p0 $0x108  }
0x21: {  	s3 =	sadd.s32 s3, s9;
	s6 =	sadd.s32 @!p0 $0x88, s6;
	s7 =	simm.s32 @p2 $0x1082  }
0x22: {  	[simem:s7], [sflag:s8] =	dma.local @!p0 [hbm:s6], $0xF7A  }
0x23: {  	s9 =	sor.u32 $0xD0000000, s2;
	s6 =	simm.s32 $0x108;
	_ =	swait.ge @!p0 [sflag:s8], $0x0  }
0x24: {  	s3 =	sadd.s32 $0x88, s3;
	s6 =	simm.s32 @!p1 $0x1082;
	[sflag:s4] =	ssyncset.s32 $0xFFFFF086  }
0x25: {  	[simem:s6], [sflag:s4] =	dma.local [hbm:s3], $0xF7A  }
0x26: {  	[smem:$0x3F9E] =	sst s1;
	(tag) =	ssettag s2;
	_ =	strace s9  }
0x27: {  	s1 =	sld [smem:$0x3FAE]  }
0x28: {  	s2 =	sld [smem:$0x3FAF]  }
0x29: {  	s4 =	sld [smem:$0x3FB1]  }
0x2a: {  	p0 =	seq.s32 s5, $0x0;
	s5 =	sld [smem:$0x3FB2]  }
0x2b: {  	s6 =	sld [smem:$0x3FB3]  }
0x2c: {  	s7 =	sld [smem:$0x3FB4]  }
0x2d: {  	s3 =	simm.s32 $0x108;
	s8 =	sld [smem:$0x3FB5]  }
0x2e: {  	s3 =	simm.s32 @!p0 $0x1082;
	s9 =	sld [smem:$0x3FB6]  }
0x2f: {  	lr =	sadd.s32 s0, s3;
	s0 =	sld [smem:$0x3FAD]  }
0x30: {  	s3 =	sld [smem:$0x3FB0]  }
0x31: {  	[smem:$0x3FB9] =	sst s10  }
0x32: {  	s10 =	sld [smem:$0x3FB7];
	_ =	sdelay $0x3  }
0x33: {  	p0 =	seq.s32 s10, $0x1;
	s10 =	sld [smem:$0x3FB9];
	_ =	sdelay $0x3  }
0x34: {  	[smem:$0x3FB9] =	sst s10  }
0x35: {  	s10 =	sld [smem:$0x3FB8];
	_ =	sdelay $0x3  }
0x36: {  	p1 =	seq.s32 s10, $0x1;
	s10 =	sld [smem:$0x3FB9];
	_ =	sdelay $0x3  }
0x37: {  	[smem:$0x3FB9] =	sst s10  }
0x38: {  	s10 =	sld [smem:$0x3FBA]  }
0x39: {  	_ = 	snop;
	(pc) =	sbr.ind lr, $3  }
0x3a: {  	_ = 	snop  }
0x3b: {  	_ = 	snop  }
0x3c: {  	p2 =	seq.s32 s10, $0x1;
	s10 =	sld [smem:$0x3FB9]  }
0x3d: {  	_ =	shalt  }
0x3e: {  	_ =	shalt  }
0x3f: {  	_ =	shalt  }
0x40: {  	_ =	shalt  }
0x41: {  	_ =	shalt  }
0x42: {  	_ =	shalt  }
0x43: {  	_ =	shalt  }
0x44: {  	_ =	shalt  }
0x45: {  	_ =	shalt  }
0x46: {  	_ =	shalt  }
0x47: {  	_ =	shalt  }
0x48: {  	_ =	shalt  }
0x49: {  	_ =	shalt  }
0x4a: {  	_ =	shalt  }
0x4b: {  	_ =	shalt  }
0x4c: {  	_ =	shalt  }
0x4d: {  	_ =	shalt  }
0x4e: {  	_ =	shalt  }
0x4f: {  	_ =	shalt  }
0x50: {  	_ =	shalt  }
0x51: {  	_ =	shalt  }
0x52: {  	_ =	shalt  }
0x53: {  	_ =	shalt  }
0x54: {  	_ =	shalt  }
0x55: {  	_ =	shalt  }
0x56: {  	_ =	shalt  }
0x57: {  	_ =	shalt  }
0x58: {  	_ =	shalt  }
0x59: {  	_ =	shalt  }
0x5a: {  	_ =	shalt  }
0x5b: {  	_ =	shalt  }
0x5c: {  	_ =	shalt  }
0x5d: {  	_ =	shalt  }
0x5e: {  	_ =	shalt  }
0x5f: {  	_ =	shalt  }
0x60: {  	_ =	shalt  }
0x61: {  	_ =	shalt  }
0x62: {  	_ =	shalt  }
0x63: {  	_ =	shalt  }
0x64: {  	_ =	shalt  }
0x65: {  	_ =	shalt  }
0x66: {  	_ =	shalt  }
0x67: {  	_ =	shalt  }
0x68: {  	_ =	shalt  }
0x69: {  	_ =	shalt  }
0x6a: {  	_ =	shalt  }
0x6b: {  	_ =	shalt  }
0x6c: {  	_ =	shalt  }
0x6d: {  	_ =	shalt  }
0x6e: {  	_ =	shalt  }
0x6f: {  	_ =	shalt  }
0x70: {  	_ =	shalt  }
0x71: {  	_ =	shalt  }
0x72: {  	_ =	shalt  }
0x73: {  	_ =	shalt  }
0x74: {  	_ =	shalt  }
0x75: {  	_ =	shalt  }
0x76: {  	_ =	shalt  }
0x77: {  	_ =	shalt  }
0x78: {  	_ =	shalt  }
0x79: {  	_ =	shalt  }
0x7a: {  	_ =	shalt  }
0x7b: {  	_ =	shalt  }
0x7c: {  	_ =	shalt  }
0x7d: {  	_ =	shalt  }
0x7e: {  	_ =	shalt  }
0x7f: {  	_ =	shalt  }
0x80: {  	_ =	shalt  }
0x81: {  	_ =	shalt  }
0x82: {  	_ =	shalt  }
0x83: {  	_ =	shalt  }
0x84: {  	_ =	shalt  }
0x85: {  	_ =	shalt  }
0x86: {  	_ =	shalt  }
0x87: {  	_ =	shalt  }
.Lfunc_end0:
.L_simem_size_0:
called_computation_lowered:
.L_overlay_start_0:
0x88: {  	s2 =	sld [smem:$0x3FD9]  }
0x89: {  	s3 =	sld [smem:$0x3FFE];
	_ =	sdelay $0x1  }
0x8a: {  	s1 =	srdreg.scid  }
0x8b: {  	s0 =	sand.u32 $0x1, s1  }
0x8c: {  	s17 =	sshll.u32 s0, $0xA;
	s2 =	sadd.s32 s3, s2  }
0x8d: {  	s2 =	sadd.s32 s2, s17  }
0x8e: {  	[smem:$0x3FC5] =	sst s2  }
0x8f: {  	_ = 	snop  }
0x90: {  	s2 =	sld [smem:$0x3FC8]  }
0x91: {  	s18 =	sld [smem:$0x3FD0];
	(tm) =	ssettm $0x1  }
0x92: {  	s4 =	sld [smem:$0x3FFB];
	_ =	sdelay $0x3  }
0x93: {  	_ =	strace s4  }
0x94: {  	s4 =	sld [smem:$0x3FFC];
	_ =	sdelay $0x3  }
0x95: {  	_ =	strace s4  }
0x96: {  	s4 =	sld [smem:$0x3FFD];
	_ =	sdelay $0x3  }
0x97: {  	_ =	strace s4  }
0x98: {  	_ =	strace $0x8FFFFFFF  }
0x99: {  	s19 =	sld [smem:$0x3FDB];
	_ =	sdelay $0x1  }
0x9a: {  	s5 =	simm.s32 $_scs_section_size  }
0x9b: {  	s6 =	simm.s32 $_size__tile_overlayer_lowered;
	s7 =	simm.s32 $_tile_overlayer_lowered  }
0x9c: {  	s22 =	simm.s32 $0x1BFF;
	s21 =	sshll.u32 s7, $0x1;
	s4 =	sadd.s32 s5, s19  }
0x9d: {  	s8 =	simm.s32 $0x0;
	s20 =	sshll.u32 s6, $0x1;
	s6 =	sadd.s32 s21, s4  }
0x9e: {  	[timem:s8], [sflag:s22] =	dma.local [hbm:s6], s20  }
0x9f: {  	_ =	swait.ge [sflag:s22], s20  }
0xa0: {  	s5 =	ssub.s32 $0x0, s20;
	[sflag:s22] =	ssyncset.done $0x0  }
0xa1: {  	[sflag:s22] =	ssyncadd.s32 s5;
	_ =	sdelay $0x1  }
0xa2: {  	s23 =	simm.s32 $0x1B8B  }
0xa3: {  	_ =	swait.ge [sflag:s23], $0x1  }
0xa4: {  	[sflag:s23] =	ssyncset.done $0x0  }
0xa5: {  	s25 =	simm.s32 $0x1B8E;
	s24 =	sld [smem:$0x3FFE];
	[sflag:s23] =	ssyncadd.s32 $0xFFFFFFFF  }
0xa6: {  	s26 =	simm.s32 $execute0_lowered;
	[smem:$0x3FD2] =	sst s25  }
0xa7: {  	s6 =	sshll.u32 s26, $0x1;
	_ =	strace $0x80000046;
	[dreg:$0x1] =	wrdreg $0xFFFFFFFF  }
0xa8: {  	s28 =	simm.s32 $_size_execute0_lowered;
	s4 =	sadd.s32 s4, s6;
	[dreg:$0x0] =	wrdreg $0x0  }
0xa9: {  	s6 =	sshll.u32 s28, $0x1;
	[dreg:$0x2] =	wrdreg s4  }
0xaa: {  	[dreg:$0x3] =	wrdreg s6  }
0xab: {  	[dreg:$0x4] =	wrdreg $0xC0  }
0xac: {  	_ =	task [dreg:s8], $0x5FFFF  }
0xad: {  	[dreg:$0x1] =	wrdreg $0xFFFFFFFF  }
0xae: {  	[dreg:$0x0] =	wrdreg $0x60  }
0xaf: {  	[dreg:$0x2] =	wrdreg s18  }
0xb0: {  	[dreg:$0x3] =	wrdreg s2  }
0xb1: {  	[dreg:$0x4] =	wrdreg s24  }
0xb2: {  	[dreg:$0x5] =	wrdreg $0x9  }
0xb3: {  	_ =	task.clear_ibuf [dreg:s8], $0x6FFFF;
	_ =	strace $0x90000046  }
0xb4: {  	s29 =	simm.s32 $0x9;
	_ =	strace $0x80000048  }
0xb5: {  	_ =	swait.ge [sflag:s29], $0x1  }
0xb6: {  	[sflag:s29] =	ssyncadd.s32 $0xFFFFFFFF  }
0xb7: {  	_ =	strace $0x90000048  }
0xb8: {  	_ =	sfence  }
0xb9: {  	s30 =	sld [smem:$0x0];
	_ =	sdelay $0x2  }
0xba: {  	s31 =	sshll.u32 s1, $0xD;
	s1 =	sshrl.u32 s1, $0x2  }
0xbb: {  	s3 =	sand.u32 $0x4000, s31;
	s1 =	sadd.s32 s1, s30  }
0xbc: {  	s0 =	sor.u32 s3, s0;
	s1 =	sshll.u32 s1, $0x11  }
0xbd: {  	s0 =	sor.u32 s1, s0  }
0xbe: {  	s0 =	sadd.s32 $0x8F2B, s0  }
0xbf: {  	[sflag:s0] =	ssyncadd.remote.s32 $0x1  }
0xc0: {  	_ =	sfence.sel $0xFFFF  }
0xc1: {  	[dreg:$0x0] =	wrdreg $0xFFFFFFFF;
	(pc) =	sbr.abs _section_cstart, $3  }
0xc2: {  	[dreg:$0x1] =	wrdreg $0xFFFFFFFF  }
0xc3: {  	_ =	task.clear_ibuf [dreg:s8], $0x2FFFF;
	_ =	strace $0x9FFFFFFF  }
0xc4: {  	(tm) =	ssettm $0x7FFFFFFF  }
0xc5: {  	_ =	shalt  }
tec
execute0_lowered:
.L_overlay_start_1:
0x0: {  	(tag) =	ssettag $0x1  }
0x1: {  	s7 =	rddreg [dreg:$0x0]  }
0x2: {  	s4 =	rddreg [dreg:$0x1]  }
0x3: {  	s5 =	rddreg [dreg:$0x2];
	s2 =	simm.s32 $0x0  }
0x4: {  	s3 =	srdreg.scid;
	[smem:$0x7FF] =	sst s2  }
0x5: {  	s1 =	stileid.u32;
	v0 =	vimm.f32 $9.999900000e+04;
	s13 =	simm.s32 $0x200;
	_ =	strace $0x80000047  }
0x6: {  	s14 =	simm.s32 $0x400;
	s15 =	simm.s32 $0x600;
	s16 =	simm.s32 $0x1;
	(erf) = vrcp.f32 v0  }
0x7: {  	s17 =	simm.s32 $0x3;
	s18 =	simm.s32 $0x2;
	s19 =	simm.s32 $0x7D80  }
0x8: {  	s20 =	simm.s32 $0x7F80;
	s21 =	simm.s32 $0x8180;
	s22 =	simm.s32 $0x4  }
0x9: {  	s23 =	simm.s32 $0x0;
	s3 =	sand.u32 $0x1, s3;
	s8 =	sshll.u32 s1, $0x7  }
0xa: {  	s11 =	sadd.s32 $0x1600, s5;
	s6 =	ssub.s32 $0x2, s3;
	s9 =	sshll.u32 s3, $0x6  }
0xb: {  	s3 =	sadd.s32 $0x600, s5;
	s10 =	sshrl.u32 s6, $0x1;
	s8 =	sor.u32 s9, s8  }
0xc: {  	s12 =	ssub.s32 s6, s10;
	s4 =	sadd.s32 s4, s8;
	s5 =	sadd.s32 s7, s8  }
0xd: {  	s9 =	sor.u32 $0x800, s8;
	s31 =	sor.u32 $0x1000, s8;
	s8 =	sadd.s32 s11, s8  }
0xe: {  	s6 =	sadd.s32 s7, s9;
	s7 =	sadd.s32 s7, s31;
	s9 =	sadd.s32 s11, s9  }
0xf: {  	v1 =	vimm.s32 $0x0;
	s10 =	sadd.s32 s11, s31;
	s11 =	smax.u32 s12, $0x1;
	s12 =	simm.s32 $0x800;
	v0 =	vpop (erf)  }
.LBB2_1:
0x10: {  	[tilespmem:s12], [sflag:$0x3] =	stream.linear.gather [hbm4b:s3+s2], $0x7580, $0x38;
	[tilespmem:$0x8980] =	vst v63  }
0x11: {  	_ = 	snop  }
0x12: {  	[tilespmem:s2], [sflag:$0x1] =	stream.linear.gather [hbm4b:s4+s2], $0x200, $0x38;
	[tilespmem:$0x8980] =	vst v63  }
0x13: {  	_ = 	snop  }
0x14: {  	[tilespmem:s13], [sflag:$0x2] =	stream.linear.gather [hbm4b:s5+s2], $0x200, $0x38;
	[tilespmem:$0x8980] =	vst v63  }
0x15: {  	_ = 	snop  }
0x16: {  	[tilespmem:s14], [sflag:$0x2] =	stream.linear.gather [hbm4b:s6+s2], $0x200, $0x38;
	[tilespmem:$0x8980] =	vst v63  }
0x17: {  	_ = 	snop  }
0x18: {  	[tilespmem:s15], [sflag:$0x2] =	stream.linear.gather [hbm4b:s7+s2], $0x200, $0x38;
	[tilespmem:$0x8980] =	vst v63  }
0x19: {  	_ =	swait.ge [sflag:s16], $0x200  }
0x1a: {  	[sflag:s16] =	ssyncset.done $0x0  }
0x1b: {  	s24 =	simm.s32 $0x20;
	[sflag:s16] =	ssyncadd.s32 $0xFFFFFE00  }
0x1c: {  	v2 =	vld [tilespmem:s24+$0xFFFFFFF0]  }
0x1d: {  	v3 =	vld [tilespmem:s24+$0x0]  }
0x1e: {  	v4 =	vld [tilespmem:s24+$0xFFFFFFE0]  }
0x1f: {  	s26 =	simm.s32 $0x60  }
0x20: {  	v9 =	vld [tilespmem:s26+$0xFFFFFFF0];
	_ =	sdelay $0x1  }
0x21: {  	v5 =	vld [tilespmem:s24+$0x10];
	v3 =	vcvt.s32.f32 v3;
	v2 =	vcvt.s32.f32 v2  }
0x22: {  	v4 =	vcvt.s32.f32 v4  }
0x23: {  	v3 =	vmul.f32 $9.999000000e+03, v3;
	v2 =	vmul.f32 $9.999000000e+03, v2  }
0x24: {  	v9 =	vcvt.s32.f32 v9;
	v4 =	vmul.f32 $9.999000000e+03, v4  }
0x25: {  	v3 =	vmul.f32 v3, v0;
	v2 =	vmul.f32 v2, v0  }
0x26: {  	v7 =	vmul.f32 v4, v0;
	v4 =	vcvt.s32.f32 v5  }
0x27: {  	v5 =	vtrunc.f32 v3;
	v6 =	vtrunc.f32 v2  }
0x28: {  	v8 =	vtrunc.f32 v7;
	v5 =	vcvt.f32.s32 v5  }
0x29: {  	v10 =	vcvt.f32.s32 v6;
	v6 =	vcvt.f32.s32 v8;
	v8 =	vld [tilespmem:s26+$0x0]  }
0x2a: {  	v12 =	vld [tilespmem:s26+$0xFFFFFFE0];
	v4 =	vmul.f32 $9.999000000e+03, v4;
	v11 =	vcvt.s32.f32 v5  }
0x2b: {  	v9 =	vmul.f32 $9.999000000e+03, v9;
	v13 =	vcvt.s32.f32 v10  }
0x2c: {  	v4 =	vmul.f32 v4, v0;
	v14 =	vcvt.s32.f32 v6;
	vm1 =	vne.f32 v3, v11  }
0x2d: {  	s25 =	simm.s32 $0x8380;
	v3 =	vsub.f32 v3, v11;
	vm0 =	vne.f32 v2, v13;
	v11 =	vsel vm1, $0x1, v1  }
0x2e: {  	v16 =	vld [tilespmem:s26+$0x10];
	[tilespmem:s25+$0x20] =	vst v5;
	vm15 =	vne.f32 v7, v14;
	v8 =	vcvt.s32.f32 v8;
	v5 =	vadd.s32 v5, v11  }
0x2f: {  	[tilespmem:s25+$0x10] =	vst v10;
	v11 =	vsub.f32 v2, v13;
	v2 =	vnsel vm1, $0x3F800000, v3;
	v3 =	vcvt.s32.f32 v12  }
0x30: {  	s24 =	simm.s32 $0x87A0;
	v15 =	vsel vm0, $0x1, v1;
	[tilespmem:s25+$0x220] =	vst v5;
	v5 =	vmul.f32 $9.999000000e+03, v8;
	v8 =	vtrunc.f32 v4  }
0x31: {  	s26 =	simm.s32 $0x0;
	[tilespmem:s24+$0x0] =	vst v2;
	v3 =	vmul.f32 $9.999000000e+03, v3;
	v2 =	vmul.f32 v9, v0;
	v9 =	vsel vm15, $0x1, v1  }
0x32: {  	s26 =	sand.u32 $0x1C0, s26;
	[tilespmem:s25+$0x0] =	vst v6;
	v5 =	vmul.f32 v5, v0;
	v9 =	vadd.s32 v6, v9;
	v6 =	vcvt.f32.s32 v8  }
0x33: {  	v8 =	vcvt.s32.f32 v16;
	v3 =	vmul.f32 v3, v0;
	[tilespmem:s26+$0x8580] =	vst v9;
	v9 =	vadd.s32 v10, v15  }
0x34: {  	v12 =	vsub.f32 v7, v14;
	v10 =	vtrunc.f32 v2;
	v7 =	vtrunc.f32 v5;
	[tilespmem:s25+$0x210] =	vst v9  }
0x35: {  	s30 =	simm.s32 $0x40;
	s31 =	simm.s32 $0xA0;
	v13 =	vnsel vm0, $0x3F800000, v11;
	v9 =	vcvt.s32.f32 v6;
	[tilespmem:s25+$0x30] =	vst v6;
	v8 =	vmul.f32 $9.999000000e+03, v8  }
0x36: {  	s28 =	simm.s32 $0x87A0;
	s29 =	simm.s32 $0x8380;
	v12 =	vnsel vm15, $0x3F800000, v12;
	s26 =	simm.s32 $0x40;
	v11 =	vtrunc.f32 v3;
	v7 =	vcvt.f32.s32 v7;
	[tilespmem:s24+$0xFFFFFFF0] =	vst v13  }
.LBB2_2:
0x37: {  	s30 =	sadd.s32 $0x40, s30;
	v13 =	vld [tilespmem:s31+$0xFFFFFFF0];
	v11 =	vcvt.f32.s32 v11;
	v10 =	vcvt.f32.s32 v10;
	[tilespmem:s24+$0xFFFFFFE0] =	vst v12;
	vm0 =	vne.f32 v4, v9;
	s25 =	sadd.s32 $0x40, s25;
	s28 =	sadd.s32 $0x40, s28  }
0x38: {  	v4 =	vsub.f32 v4, v9;
	v12 =	vld [tilespmem:s31+$0x0];
	p0 =	slt.u32 s30, $0x1C0;
	v14 =	vcvt.s32.f32 v7;
	[tilespmem:s25+$0x20] =	vst v7;
	v15 =	vsel vm0, $0x1, v1  }
0x39: {  	v9 =	vld [tilespmem:s31+$0xFFFFFFE0];
	v16 =	vcvt.s32.f32 v11;
	v17 =	vcvt.s32.f32 v10;
	[tilespmem:s25+$0x10] =	vst v10;
	v6 =	vadd.s32 v6, v15  }
0x3a: {  	v15 =	vld [tilespmem:s31+$0x10];
	vm1 =	vne.f32 v5, v14;
	v5 =	vsub.f32 v5, v14;
	v14 =	vnsel vm0, $0x3F800000, v4;
	[tilespmem:s29+$0x230] =	vst v6;
	s29 =	smov.u32 s25  }
0x3b: {  	v4 =	vmul.f32 v8, v0;
	vm0 =	vne.f32 v2, v17;
	v6 =	vsel vm1, $0x1, v1;
	[tilespmem:s24+$0x10] =	vst v14;
	s24 =	smov.u32 s28  }
0x3c: {  	v8 =	vcvt.s32.f32 v13;
	v13 =	vsel vm0, $0x1, v1;
	v6 =	vadd.s32 v7, v6  }
0x3d: {  	v7 =	vcvt.s32.f32 v12;
	v12 =	vsub.f32 v2, v17;
	v2 =	vnsel vm1, $0x3F800000, v5;
	[tilespmem:s25+$0x220] =	vst v6  }
0x3e: {  	v14 =	vsub.f32 v3, v16;
	v5 =	vcvt.s32.f32 v9;
	v6 =	vmul.f32 $9.999000000e+03, v8;
	[tilespmem:s28+$0x0] =	vst v2  }
0x3f: {  	vm1 =	vne.f32 v3, v16;
	v3 =	vtrunc.f32 v4;
	v7 =	vmul.f32 $9.999000000e+03, v7  }
0x40: {  	v8 =	vmul.f32 $9.999000000e+03, v5;
	v2 =	vmul.f32 v6, v0;
	v6 =	vsel vm1, $0x1, v1  }
.Ltmp0:
0x41: {  	s0 =	sand.u32 $0x1C0, s26;
	s26 =	smov.u32 s30;
	v5 =	vmul.f32 v7, v0;
	v7 =	vadd.s32 v11, v6;
	[tilespmem:s25+$0x0] =	vst v11;
	v6 =	vcvt.f32.s32 v3;
	(pc) =	sbr.rel @p0 .LBB2_2-.Ltmp0, $4  }
0x42: {  	v3 =	vmul.f32 v8, v0;
	v8 =	vcvt.s32.f32 v15;
	[tilespmem:s0+$0x8580] =	vst v7;
	v7 =	vadd.s32 v10, v13  }
0x43: {  	v10 =	vtrunc.f32 v2;
	v15 =	vnsel vm0, $0x3F800000, v12;
	v13 =	vtrunc.f32 v5;
	[tilespmem:s25+$0x210] =	vst v7  }
0x44: {  	v9 =	vcvt.s32.f32 v6;
	v11 =	vtrunc.f32 v3;
	[tilespmem:s25+$0x30] =	vst v6  }
0x45: {  	s31 =	sadd.s32 $0x40, s31;
	v12 =	vnsel vm1, $0x3F800000, v14;
	v7 =	vcvt.f32.s32 v13;
	v8 =	vmul.f32 $9.999000000e+03, v8;
	[tilespmem:s28+$0xFFFFFFF0] =	vst v15  }
0x46: {  	v11 =	vcvt.f32.s32 v11  }
0x47: {  	v10 =	vcvt.f32.s32 v10;
	[tilespmem:s24+$0xFFFFFFE0] =	vst v12;
	vm0 =	vne.f32 v4, v9;
	s0 =	sadd.s32 $0x40, s25;
	v60 =	vcvt.s32.f32 v7  }
0x48: {  	v4 =	vsub.f32 v4, v9;
	[tilespmem:s0+$0x20] =	vst v7;
	v13 =	vsel vm0, $0x1, v1;
	v8 =	vmul.f32 v8, v0  }
0x49: {  	v9 =	vcvt.s32.f32 v11;
	[tilespmem:s0+$0x10] =	vst v10;
	v6 =	vadd.s32 v6, v13;
	vm1 =	vne.f32 v5, v60  }
0x4a: {  	v4 =	vnsel vm0, $0x3F800000, v4;
	v5 =	vsub.f32 v5, v60;
	[tilespmem:s29+$0x230] =	vst v6;
	v6 =	vsel vm1, $0x1, v1  }
0x4b: {  	v61 =	vcvt.s32.f32 v10;
	[tilespmem:s24+$0x10] =	vst v4;
	v4 =	vadd.s32 v7, v6  }
0x4c: {  	s31 =	sadd.s32 $0x40, s28;
	vm13 =	vne.f32 v3, v9;
	v5 =	vnsel vm1, $0x3F800000, v5;
	[tilespmem:s0+$0x220] =	vst v4;
	v4 =	vtrunc.f32 v8  }
0x4d: {  	vm14 =	vne.f32 v2, v61;
	[tilespmem:s31+$0x0] =	vst v5;
	v5 =	vsel vm13, $0x1, v1;
	v4 =	vcvt.f32.s32 v4  }
0x4e: {  	s30 =	sand.u32 $0x1C0, s26;
	[tilespmem:s0+$0x0] =	vst v11;
	v6 =	vsel vm14, $0x1, v1;
	v5 =	vadd.s32 v11, v5  }
0x4f: {  	v2 =	vsub.f32 v2, v61;
	[tilespmem:s30+$0x8580] =	vst v5;
	v5 =	vadd.s32 v10, v6;
	v6 =	vcvt.s32.f32 v4  }
0x50: {  	v3 =	vsub.f32 v3, v9;
	[tilespmem:s0+$0x30] =	vst v4  }
0x51: {  	v2 =	vnsel vm14, $0x3F800000, v2;
	[tilespmem:s0+$0x210] =	vst v5;
	vm15 =	vne.f32 v8, v6  }
0x52: {  	v3 =	vnsel vm13, $0x3F800000, v3;
	[tilespmem:s31+$0xFFFFFFF0] =	vst v2;
	v5 =	vsub.f32 v8, v6;
	v2 =	vsel vm15, $0x1, v1  }
0x53: {  	[tilespmem:s31+$0xFFFFFFE0] =	vst v3;
	v2 =	vadd.s32 v4, v2  }
0x54: {  	v3 =	vnsel vm15, $0x3F800000, v5;
	[tilespmem:s0+$0x230] =	vst v2  }
0x55: {  	[tilespmem:s31+$0x10] =	vst v3  }
0x56: {  	_ =	swait.ge [sflag:s17], $0x7580  }
0x57: {  	[sflag:s17] =	ssyncset.done $0x0  }
0x58: {  	[sflag:s17] =	ssyncadd.s32 $0xFFFF8A80  }
0x59: {  	_ =	swait.ge [sflag:s18], $0x200  }
0x5a: {  	[sflag:s18] =	ssyncset.done $0x0  }
0x5b: {  	[sflag:s18] =	ssyncadd.s32 $0xFFFFFE00  }
0x5c: {  	_ =	swait.ge [sflag:s18], $0x200  }
0x5d: {  	[sflag:s18] =	ssyncset.done $0x0  }
0x5e: {  	[sflag:s18] =	ssyncadd.s32 $0xFFFFFE00  }
0x5f: {  	_ =	swait.ge [sflag:s18], $0x200  }
0x60: {  	s24 =	simm.s32 $0x0;
	[sflag:s18] =	ssyncset.done $0x0  }
0x61: {  	s31 =	sand.u32 $0x1C0, s24;
	[sflag:s18] =	ssyncadd.s32 $0xFFFFFE00  }
0x62: {  	s25 =	simm.s32 $0x8380;
	v2 =	vld [tilespmem:s31+$0x8580]  }
0x63: {  	v3 =	vld [tilespmem:s25+$0x30]  }
0x64: {  	v4 =	vld [tilespmem:s25+$0x0]  }
0x65: {  	v5 =	vld [tilespmem:s25+$0x230]  }
0x66: {  	v6 =	vld [tilespmem:s25+$0x10]  }
0x67: {  	v7 =	vld [tilespmem:s25+$0x20]  }
0x68: {  	v9 =	vld [tilespmem:s25+$0x210]  }
0x69: {  	s28 =	simm.s32 $0x87A0;
	v10 =	vld [tilespmem:s25+$0x220]  }
0x6a: {  	s29 =	simm.s32 $0x220;
	v11 =	vld [tilespmem:s28+$0x10]  }
0x6b: {  	v62 =	vld [tilespmem:s29+$0x10]  }
0x6c: {  	v8 =	vld.idx.msk [tilespmem:v3+s12+$0x0], $0xffff  }
0x6d: {  	v14 =	vld [tilespmem:s28+$0xFFFFFFE0]  }
0x6e: {  	v5 =	vld.idx.msk [tilespmem:v5+s12+$0x0], $0xffff  }
0x6f: {  	v63 =	vld.idx.msk [tilespmem:v4+s12+$0x0], $0xffff  }
0x70: {  	v4 =	vld.idx.msk [tilespmem:v6+s12+$0x0], $0xffff  }
0x71: {  	v3 =	vld.idx.msk [tilespmem:v7+s12+$0x0], $0xffff;
	v6 =	vsub.f32 $1.000000000e+00, v11;
	v7 =	vmul.f32 v8, v11  }
0x72: {  	v2 =	vld.idx.msk [tilespmem:v2+s12+$0x0], $0xffff  }
0x73: {  	v8 =	vld [tilespmem:s28+$0xFFFFFFF0];
	v6 =	vmul.f32 v5, v6;
	v11 =	vadd.f32 v62, v7  }
0x74: {  	v7 =	vld [tilespmem:s28+$0x0]  }
0x75: {  	v5 =	vld.idx.msk [tilespmem:v9+s12+$0x0], $0xffff;
	v12 =	vadd.f32 v11, v6  }
0x76: {  	s26 =	simm.s32 $0x7DA0;
	v9 =	vld [tilespmem:s29+$0xFFFFFFE0]  }
0x77: {  	v6 =	vld.idx.msk [tilespmem:v10+s12+$0x0], $0xffff;
	v11 =	vsub.f32 $1.000000000e+00, v14;
	v10 =	vmul.f32 v63, v14;
	[tilespmem:s26+$0x10] =	vst v12  }
.LBB2_4:
0x78: {  	s24 =	sadd.s32 $0x40, s24;
	v12 =	vsub.f32 $1.000000000e+00, v8;
	v13 =	vld [tilespmem:s29+$0xFFFFFFF0];
	v4 =	vmul.f32 v4, v8  }
0x79: {  	s0 =	sand.u32 $0x1C0, s24;
	v2 =	vmul.f32 v2, v11;
	v8 =	vsub.f32 $1.000000000e+00, v7;
	v11 =	vld [tilespmem:s29+$0x0];
	v3 =	vmul.f32 v3, v7  }
0x7a: {  	s25 =	sadd.s32 $0x40, s25;
	v7 =	vld [tilespmem:s0+$0x8580]  }
0x7b: {  	p0 =	slt.u32 s24, $0x1C0;
	v5 =	vmul.f32 v5, v12;
	v14 =	vld [tilespmem:s25+$0x30]  }
0x7c: {  	v6 =	vmul.f32 v6, v8;
	v12 =	vld [tilespmem:s25+$0x0];
	v9 =	vadd.f32 v9, v10  }
0x7d: {  	v8 =	vld [tilespmem:s25+$0x230];
	v4 =	vadd.f32 v13, v4  }
0x7e: {  	v10 =	vld [tilespmem:s25+$0x10];
	v2 =	vadd.f32 v9, v2;
	v3 =	vadd.f32 v11, v3  }
0x7f: {  	v9 =	vld [tilespmem:s25+$0x20];
	v4 =	vadd.f32 v4, v5  }
0x80: {  	v5 =	vld [tilespmem:s25+$0x210];
	[tilespmem:s26+$0xFFFFFFE0] =	vst v2;
	v3 =	vadd.f32 v3, v6  }
0x81: {  	v6 =	vld [tilespmem:s25+$0x220];
	[tilespmem:s26+$0xFFFFFFF0] =	vst v4  }
0x82: {  	v2 =	vld.idx.msk [tilespmem:v7+s12+$0x0], $0xffff;
	[tilespmem:s26+$0x0] =	vst v3  }
0x83: {  	s28 =	sadd.s32 $0x40, s28;
	v7 =	vld.idx.msk [tilespmem:v14+s12+$0x0], $0xffff  }
0x84: {  	v11 =	vld [tilespmem:s28+$0x10]  }
0x85: {  	s29 =	sadd.s32 $0x40, s29;
	v13 =	vld.idx.msk [tilespmem:v8+s12+$0x0], $0xffff  }
0x86: {  	v14 =	vld [tilespmem:s29+$0x10]  }
0x87: {  	v12 =	vld.idx.msk [tilespmem:v12+s12+$0x0], $0xffff  }
0x88: {  	v4 =	vld.idx.msk [tilespmem:v10+s12+$0x0], $0xffff  }
0x89: {  	v3 =	vld.idx.msk [tilespmem:v9+s12+$0x0], $0xffff;
	v9 =	vsub.f32 $1.000000000e+00, v11;
	v7 =	vmul.f32 v7, v11  }
0x8a: {  	v10 =	vld [tilespmem:s28+$0xFFFFFFE0]  }
.Ltmp1:
0x8b: {  	v8 =	vld [tilespmem:s28+$0xFFFFFFF0];
	v11 =	vadd.f32 v14, v7;
	v9 =	vmul.f32 v13, v9;
	(pc) =	sbr.rel @p0 .LBB2_4-.Ltmp1, $4  }
0x8c: {  	v7 =	vld [tilespmem:s28+$0x0]  }
0x8d: {  	v5 =	vld.idx.msk [tilespmem:v5+s12+$0x0], $0xffff;
	v13 =	vadd.f32 v11, v9  }
0x8e: {  	s26 =	sadd.s32 $0x40, s26;
	v6 =	vld.idx.msk [tilespmem:v6+s12+$0x0], $0xffff  }
0x8f: {  	v11 =	vsub.f32 $1.000000000e+00, v10;
	v9 =	vld [tilespmem:s29+$0xFFFFFFE0];
	v10 =	vmul.f32 v12, v10;
	[tilespmem:s26+$0x10] =	vst v13  }
0x90: {  	v12 =	vld [tilespmem:s29+$0xFFFFFFF0]  }
0x91: {  	v13 =	vld [tilespmem:s29+$0x0];
	_ =	sdelay $0x1  }
0x92: {  	v4 =	vmul.f32 v4, v8;
	v8 =	vsub.f32 $1.000000000e+00, v8;
	v2 =	vmul.f32 v2, v11  }
0x93: {  	v11 =	vsub.f32 $1.000000000e+00, v7;
	v3 =	vmul.f32 v3, v7;
	v7 =	vadd.f32 v9, v10  }
0x94: {  	v5 =	vmul.f32 v5, v8;
	v4 =	vadd.f32 v12, v4  }
0x95: {  	v6 =	vmul.f32 v6, v11;
	v3 =	vadd.f32 v13, v3;
	v2 =	vadd.f32 v7, v2  }
0x96: {  	v4 =	vadd.f32 v4, v5  }
0x97: {  	[tilespmem:s26+$0xFFFFFFE0] =	vst v2;
	v2 =	vadd.f32 v3, v6  }
0x98: {  	[tilespmem:s26+$0xFFFFFFF0] =	vst v4  }
0x99: {  	s0 =	simm.s32 $0x8580;
	[tilespmem:s26+$0x0] =	vst v2  }
0x9a: {  	[hbm4b:s8+s2] =	stream.linear.scatter [tilespmem:s19], [sflag:$0x4], $0x200, $0x38;
	[tilespmem:$0x8980] =	vst v63  }
0x9b: {  	v2 =	vld [tilespmem:s0+$0xFFFFFE30]  }
0x9c: {  	v3 =	vld [tilespmem:s0+$0x30]  }
0x9d: {  	v4 =	vld [tilespmem:s0+$0xFFFFFE00]  }
0x9e: {  	v5 =	vld [tilespmem:s0+$0xFFFFFE10]  }
0x9f: {  	v6 =	vld [tilespmem:s0+$0xFFFFFE20]  }
0xa0: {  	v7 =	vld [tilespmem:s0+$0x0];
	v2 =	vadd.s32 $0x2710, v2  }
0xa1: {  	v8 =	vld [tilespmem:s0+$0x10];
	v3 =	vadd.s32 $0x2710, v3  }
0xa2: {  	s24 =	simm.s32 $0x87A0;
	v9 =	vld [tilespmem:s0+$0x20];
	v4 =	vadd.s32 $0x2710, v4  }
0xa3: {  	s25 =	simm.s32 $0x430;
	v11 =	vld [tilespmem:s24+$0x10];
	v5 =	vadd.s32 $0x2710, v5  }
0xa4: {  	v62 =	vld [tilespmem:s25+$0x0];
	v6 =	vadd.s32 $0x2710, v6  }
0xa5: {  	v10 =	vld.idx.msk [tilespmem:v2+s12+$0x0], $0xffff  }
0xa6: {  	v3 =	vld.idx.msk [tilespmem:v3+s12+$0x0], $0xffff  }
0xa7: {  	v2 =	vld.idx.msk [tilespmem:v4+s12+$0x0], $0xffff  }
0xa8: {  	v4 =	vadd.s32 $0x2710, v7;
	v63 =	vld.idx.msk [tilespmem:v5+s12+$0x0], $0xffff  }
0xa9: {  	v14 =	vld.idx.msk [tilespmem:v6+s12+$0x0], $0xffff  }
0xaa: {  	v7 =	vadd.s32 $0x2710, v8;
	v5 =	vsub.f32 $1.000000000e+00, v11;
	v6 =	vmul.f32 v10, v11;
	v10 =	vld [tilespmem:s24+$0xFFFFFFF0]  }
0xab: {  	v16 =	vld [tilespmem:s24+$0x0];
	v15 =	vadd.s32 $0x2710, v9  }
0xac: {  	v8 =	vld [tilespmem:s24+$0xFFFFFFE0];
	v3 =	vmul.f32 v3, v5;
	v6 =	vadd.f32 v62, v6  }
0xad: {  	v5 =	vld.idx.msk [tilespmem:v4+s12+$0x0], $0xffff  }
0xae: {  	v11 =	vld [tilespmem:s25+$0xFFFFFFD0];
	v4 =	vadd.f32 v6, v3  }
0xaf: {  	s26 =	simm.s32 $0x7FB0;
	v6 =	vld.idx.msk [tilespmem:v7+s12+$0x0], $0xffff;
	v9 =	vsub.f32 $1.000000000e+00, v10  }
0xb0: {  	s28 =	simm.s32 $0x0;
	s29 =	simm.s32 $0x85C0;
	v7 =	vld.idx.msk [tilespmem:v15+s12+$0x0], $0xffff;
	v3 =	vmul.f32 v63, v10;
	v10 =	vsub.f32 $1.000000000e+00, v16;
	[tilespmem:s26+$0x0] =	vst v4;
	v4 =	vmul.f32 v14, v16  }
.LBB2_6:
0xb1: {  	v12 =	vld [tilespmem:s29+$0xFFFFFE30];
	s28 =	sadd.s32 $0x40, s28;
	v13 =	vsub.f32 $1.000000000e+00, v8;
	v2 =	vmul.f32 v2, v8  }
0xb2: {  	v8 =	vld [tilespmem:s29+$0xFFFFFE00];
	p0 =	slt.u32 s28, $0x1C0  }
0xb3: {  	v14 =	vld [tilespmem:s29+$0x30];
	v5 =	vmul.f32 v5, v13  }
0xb4: {  	v6 =	vmul.f32 v6, v9;
	v13 =	vld [tilespmem:s29+$0xFFFFFE10]  }
0xb5: {  	v7 =	vmul.f32 v7, v10;
	v9 =	vld [tilespmem:s29+$0xFFFFFE20];
	v2 =	vadd.f32 v11, v2  }
0xb6: {  	v10 =	vld [tilespmem:s29+$0x0];
	v11 =	vadd.s32 $0x2710, v12  }
0xb7: {  	v8 =	vadd.s32 $0x2710, v8;
	v12 =	vld [tilespmem:s29+$0x10];
	v2 =	vadd.f32 v2, v5  }
0xb8: {  	v5 =	vld [tilespmem:s29+$0x20];
	v14 =	vadd.s32 $0x2710, v14  }
0xb9: {  	v13 =	vadd.s32 $0x2710, v13;
	[tilespmem:s26+$0xFFFFFFD0] =	vst v2;
	v2 =	vld [tilespmem:s25+$0xFFFFFFE0]  }
0xba: {  	v9 =	vadd.s32 $0x2710, v9;
	v15 =	vld [tilespmem:s25+$0xFFFFFFF0]  }
0xbb: {  	s24 =	sadd.s32 $0x40, s24;
	v10 =	vadd.s32 $0x2710, v10;
	v11 =	vld.idx.msk [tilespmem:v11+s12+$0x0], $0xffff  }
0xbc: {  	v12 =	vadd.s32 $0x2710, v12;
	v16 =	vld [tilespmem:s24+$0x10]  }
0xbd: {  	s25 =	sadd.s32 $0x40, s25;
	v17 =	vadd.s32 $0x2710, v5;
	v5 =	vld.idx.msk [tilespmem:v14+s12+$0x0], $0xffff  }
0xbe: {  	v14 =	vld [tilespmem:s25+$0x0];
	v3 =	vadd.f32 v2, v3  }
0xbf: {  	v2 =	vld.idx.msk [tilespmem:v8+s12+$0x0], $0xffff;
	v4 =	vadd.f32 v15, v4  }
0xc0: {  	v13 =	vld.idx.msk [tilespmem:v13+s12+$0x0], $0xffff;
	v3 =	vadd.f32 v3, v6  }
0xc1: {  	v15 =	vld.idx.msk [tilespmem:v9+s12+$0x0], $0xffff;
	v6 =	vsub.f32 $1.000000000e+00, v16;
	v8 =	vmul.f32 v11, v16;
	v4 =	vadd.f32 v4, v7  }
0xc2: {  	v7 =	vld [tilespmem:s24+$0xFFFFFFF0];
	[tilespmem:s26+$0xFFFFFFE0] =	vst v3  }
0xc3: {  	v16 =	vld [tilespmem:s24+$0x0];
	v3 =	vadd.f32 v14, v8;
	v6 =	vmul.f32 v5, v6;
	[tilespmem:s26+$0xFFFFFFF0] =	vst v4  }
.Ltmp2:
0xc4: {  	v8 =	vld [tilespmem:s24+$0xFFFFFFE0];
	(pc) =	sbr.rel @p0 .LBB2_6-.Ltmp2, $4  }
0xc5: {  	v5 =	vld.idx.msk [tilespmem:v10+s12+$0x0], $0xffff;
	v4 =	vadd.f32 v3, v6  }
0xc6: {  	s26 =	sadd.s32 $0x40, s26;
	v6 =	vld.idx.msk [tilespmem:v12+s12+$0x0], $0xffff  }
0xc7: {  	v9 =	vsub.f32 $1.000000000e+00, v7;
	v3 =	vmul.f32 v13, v7;
	v7 =	vld.idx.msk [tilespmem:v17+s12+$0x0], $0xffff;
	[tilespmem:s26+$0x0] =	vst v4  }
0xc8: {  	s29 =	sadd.s32 $0x40, s29;
	v11 =	vld [tilespmem:s25+$0xFFFFFFD0];
	v10 =	vsub.f32 $1.000000000e+00, v16;
	v4 =	vmul.f32 v15, v16  }
0xc9: {  	v12 =	vld [tilespmem:s25+$0xFFFFFFE0]  }
0xca: {  	v13 =	vld [tilespmem:s25+$0xFFFFFFF0]  }
0xcb: {  	v14 =	vsub.f32 $1.000000000e+00, v8;
	v2 =	vmul.f32 v2, v8;
	_ =	sdelay $0x1  }
0xcc: {  	v5 =	vmul.f32 v5, v14;
	v2 =	vadd.f32 v11, v2  }
0xcd: {  	v6 =	vmul.f32 v6, v9;
	v3 =	vadd.f32 v12, v3  }
0xce: {  	v7 =	vmul.f32 v7, v10;
	v4 =	vadd.f32 v13, v4;
	v2 =	vadd.f32 v2, v5  }
0xcf: {  	v3 =	vadd.f32 v3, v6  }
0xd0: {  	[tilespmem:s26+$0xFFFFFFD0] =	vst v2;
	v2 =	vadd.f32 v4, v7  }
0xd1: {  	s0 =	simm.s32 $0x0;
	[tilespmem:s26+$0xFFFFFFE0] =	vst v3  }
0xd2: {  	s0 =	sand.u32 $0x1C0, s0;
	[tilespmem:s26+$0xFFFFFFF0] =	vst v2  }
0xd3: {  	[hbm4b:s9+s2] =	stream.linear.scatter [tilespmem:s20], [sflag:$0x4], $0x200, $0x38;
	[tilespmem:$0x8980] =	vst v63  }
0xd4: {  	s24 =	simm.s32 $0x8380;
	v2 =	vld [tilespmem:s0+$0x8580]  }
0xd5: {  	v3 =	vld [tilespmem:s24+$0x30]  }
0xd6: {  	v4 =	vld [tilespmem:s24+$0x230]  }
0xd7: {  	v5 =	vld [tilespmem:s24+$0x0]  }
0xd8: {  	v6 =	vld [tilespmem:s24+$0x10]  }
0xd9: {  	v7 =	vld [tilespmem:s24+$0x20]  }
0xda: {  	s28 =	simm.s32 $0x40;
	v8 =	vld [tilespmem:s24+$0x210]  }
0xdb: {  	s31 =	sand.u32 $0x1C0, s28;
	v9 =	vld [tilespmem:s24+$0x220]  }
0xdc: {  	s25 =	simm.s32 $0x87A0;
	v11 =	vld [tilespmem:s31+$0x8580]  }
0xdd: {  	s26 =	simm.s32 $0x630;
	v10 =	vld [tilespmem:s25+$0x10]  }
0xde: {  	v12 =	vld [tilespmem:s26+$0x0];
	v3 =	vadd.s32 $0x4E20, v3  }
0xdf: {  	v14 =	vld [tilespmem:s25+$0xFFFFFFF0];
	v2 =	vadd.s32 $0x4E20, v2  }
0xe0: {  	v15 =	vld [tilespmem:s25+$0x0];
	v4 =	vadd.s32 $0x4E20, v4  }
0xe1: {  	v18 =	vld [tilespmem:s26+$0xFFFFFFD0];
	v6 =	vadd.s32 $0x4E20, v6  }
0xe2: {  	v63 =	vld [tilespmem:s26+$0xFFFFFFE0]  }
0xe3: {  	v5 =	vadd.s32 $0x4E20, v5;
	v3 =	vld.idx.msk [tilespmem:v3+s12+$0x0], $0xffff  }
0xe4: {  	v7 =	vadd.s32 $0x4E20, v7;
	v2 =	vld.idx.msk [tilespmem:v2+s12+$0x0], $0xffff  }
0xe5: {  	v8 =	vadd.s32 $0x4E20, v8;
	v4 =	vld.idx.msk [tilespmem:v4+s12+$0x0], $0xffff  }
0xe6: {  	v13 =	vld.idx.msk [tilespmem:v6+s12+$0x0], $0xffff;
	v6 =	vadd.s32 $0x4E20, v9  }
0xe7: {  	v9 =	vld [tilespmem:s25+$0xFFFFFFE0]  }
0xe8: {  	v16 =	vsub.f32 $1.000000000e+00, v10;
	v5 =	vld.idx.msk [tilespmem:v5+s12+$0x0], $0xffff;
	v3 =	vmul.f32 v3, v10  }
0xe9: {  	v7 =	vld.idx.msk [tilespmem:v7+s12+$0x0], $0xffff  }
0xea: {  	v8 =	vld.idx.msk [tilespmem:v8+s12+$0x0], $0xffff;
	v4 =	vmul.f32 v4, v16;
	v3 =	vadd.f32 v12, v3  }
0xeb: {  	s29 =	simm.s32 $0x83C0;
	v17 =	vld.idx.msk [tilespmem:v6+s12+$0x0], $0xffff  }
0xec: {  	v19 =	vld [tilespmem:s29+$0x30];
	v20 =	vadd.f32 v3, v4;
	v3 =	vsub.f32 $1.000000000e+00, v9  }
0xed: {  	v6 =	vld [tilespmem:s29+$0x0];
	v4 =	vmul.f32 v5, v9;
	v5 =	vsub.f32 $1.000000000e+00, v14  }
0xee: {  	v10 =	vld [tilespmem:s29+$0x230];
	v12 =	vsub.f32 $1.000000000e+00, v15;
	v9 =	vmul.f32 v13, v14;
	v14 =	vmul.f32 v2, v3  }
0xef: {  	v2 =	vmul.f32 v7, v15;
	v15 =	vadd.f32 v18, v4;
	v7 =	vld [tilespmem:s29+$0x10];
	v4 =	vmul.f32 v8, v5  }
0xf0: {  	s24 =	simm.s32 $0x81B0;
	v3 =	vmul.f32 v17, v12;
	v12 =	vadd.s32 $0x4E20, v11;
	v11 =	vld [tilespmem:s29+$0x20];
	v9 =	vadd.f32 v63, v9  }
0xf1: {  	v13 =	vadd.s32 $0x4E20, v19;
	[tilespmem:s24+$0x0] =	vst v20;
	v8 =	vld [tilespmem:s29+$0x210];
	v5 =	vadd.f32 v15, v14  }
.LBB2_8:
0xf2: {  	s28 =	sadd.s32 $0x40, s28;
	v6 =	vadd.s32 $0x4E20, v6;
	v14 =	vld [tilespmem:s29+$0x220];
	v4 =	vadd.f32 v9, v4  }
0xf3: {  	s0 =	sand.u32 $0x1C0, s28;
	p0 =	slt.u32 s28, $0x1C0;
	v9 =	vadd.s32 $0x4E20, v10;
	[tilespmem:s24+$0xFFFFFFD0] =	vst v5;
	v5 =	vld [tilespmem:s26+$0xFFFFFFF0]  }
0xf4: {  	v15 =	vld [tilespmem:s0+$0x8580];
	v7 =	vadd.s32 $0x4E20, v7;
	[tilespmem:s24+$0xFFFFFFE0] =	vst v4  }
0xf5: {  	v4 =	vld.idx.msk [tilespmem:v12+s12+$0x0], $0xffff;
	v10 =	vadd.s32 $0x4E20, v11  }
0xf6: {  	s25 =	sadd.s32 $0x40, s25;
	v8 =	vadd.s32 $0x4E20, v8;
	v11 =	vld.idx.msk [tilespmem:v13+s12+$0x0], $0xffff  }
0xf7: {  	v12 =	vadd.s32 $0x4E20, v14;
	v13 =	vld [tilespmem:s25+$0x10]  }
0xf8: {  	s26 =	sadd.s32 $0x40, s26;
	v9 =	vld.idx.msk [tilespmem:v9+s12+$0x0], $0xffff;
	v2 =	vadd.f32 v5, v2  }
0xf9: {  	v5 =	vld [tilespmem:s26+$0x0]  }
0xfa: {  	v6 =	vld.idx.msk [tilespmem:v6+s12+$0x0], $0xffff;
	v2 =	vadd.f32 v2, v3  }
0xfb: {  	v3 =	vld.idx.msk [tilespmem:v7+s12+$0x0], $0xffff  }
0xfc: {  	v7 =	vld.idx.msk [tilespmem:v10+s12+$0x0], $0xffff;
	v10 =	vsub.f32 $1.000000000e+00, v13;
	v11 =	vmul.f32 v11, v13;
	[tilespmem:s24+$0xFFFFFFF0] =	vst v2  }
0xfd: {  	v2 =	vld [tilespmem:s25+$0xFFFFFFE0]  }
0xfe: {  	v13 =	vld [tilespmem:s25+$0xFFFFFFF0];
	v5 =	vadd.f32 v5, v11;
	v9 =	vmul.f32 v9, v10  }
0xff: {  	v10 =	vld [tilespmem:s25+$0x0]  }
0x100: {  	v8 =	vld.idx.msk [tilespmem:v8+s12+$0x0], $0xffff;
	v5 =	vadd.f32 v5, v9  }
0x101: {  	s24 =	sadd.s32 $0x40, s24;
	v9 =	vld.idx.msk [tilespmem:v12+s12+$0x0], $0xffff  }
0x102: {  	v11 =	vsub.f32 $1.000000000e+00, v2;
	v12 =	vld [tilespmem:s26+$0xFFFFFFD0];
	v14 =	vmul.f32 v6, v2;
	[tilespmem:s24+$0x0] =	vst v5  }
0x103: {  	s29 =	sadd.s32 $0x40, s29;
	v5 =	vsub.f32 $1.000000000e+00, v13;
	v16 =	vld [tilespmem:s26+$0xFFFFFFE0];
	v13 =	vmul.f32 v3, v13  }
0x104: {  	v17 =	vld [tilespmem:s29+$0x30];
	v18 =	vmul.f32 v4, v11;
	v3 =	vsub.f32 $1.000000000e+00, v10;
	v2 =	vmul.f32 v7, v10  }
.Ltmp3:
0x105: {  	v6 =	vld [tilespmem:s29+$0x0];
	(pc) =	sbr.rel @p0 .LBB2_8-.Ltmp3, $4  }
0x106: {  	v4 =	vmul.f32 v8, v5;
	v10 =	vld [tilespmem:s29+$0x230]  }
0x107: {  	v3 =	vmul.f32 v9, v3;
	v7 =	vld [tilespmem:s29+$0x10];
	v5 =	vadd.f32 v12, v14  }
0x108: {  	v12 =	vadd.s32 $0x4E20, v15;
	v11 =	vld [tilespmem:s29+$0x20];
	v9 =	vadd.f32 v16, v13  }
0x109: {  	v8 =	vld [tilespmem:s29+$0x210];
	v13 =	vadd.s32 $0x4E20, v17;
	v5 =	vadd.f32 v5, v18  }
0x10a: {  	_ =	sdelay $0x1  }
0x10b: {  	v14 =	vld [tilespmem:s29+$0x220]  }
0x10c: {  	v15 =	vld [tilespmem:s26+$0xFFFFFFF0]  }
0x10d: {  	v12 =	vld.idx.msk [tilespmem:v12+s12+$0x0], $0xffff  }
0x10e: {  	v13 =	vld.idx.msk [tilespmem:v13+s12+$0x0], $0xffff;
	s0 =	sadd.s32 $0x40, s25  }
0x10f: {  	s30 =	sadd.s32 $0x40, s26;
	v16 =	vld [tilespmem:s0+$0x10]  }
0x110: {  	v17 =	vld [tilespmem:s30+$0x0]  }
0x111: {  	v18 =	vld [tilespmem:s0+$0xFFFFFFE0]  }
0x112: {  	v6 =	vadd.s32 $0x4E20, v6;
	v19 =	vld [tilespmem:s0+$0xFFFFFFF0]  }
0x113: {  	v10 =	vadd.s32 $0x4E20, v10;
	v20 =	vld [tilespmem:s0+$0x0]  }
0x114: {  	v54 =	vld [tilespmem:s30+$0xFFFFFFD0];
	v7 =	vadd.s32 $0x4E20, v7  }
0x115: {  	v56 =	vld [tilespmem:s30+$0xFFFFFFE0];
	v11 =	vadd.s32 $0x4E20, v11  }
0x116: {  	v21 =	vld [tilespmem:s30+$0xFFFFFFF0];
	v8 =	vadd.s32 $0x4E20, v8  }
0x117: {  	v6 =	vld.idx.msk [tilespmem:v6+s12+$0x0], $0xffff;
	v14 =	vadd.s32 $0x4E20, v14  }
0x118: {  	v10 =	vld.idx.msk [tilespmem:v10+s12+$0x0], $0xffff  }
0x119: {  	v7 =	vld.idx.msk [tilespmem:v7+s12+$0x0], $0xffff  }
0x11a: {  	v4 =	vadd.f32 v9, v4;
	v11 =	vld.idx.msk [tilespmem:v11+s12+$0x0], $0xffff  }
0x11b: {  	v2 =	vadd.f32 v15, v2;
	v55 =	vsub.f32 $1.000000000e+00, v16;
	v8 =	vld.idx.msk [tilespmem:v8+s12+$0x0], $0xffff  }
0x11c: {  	v13 =	vmul.f32 v13, v16;
	v57 =	vsub.f32 $1.000000000e+00, v19;
	v60 =	vsub.f32 $1.000000000e+00, v20;
	v14 =	vld.idx.msk [tilespmem:v14+s12+$0x0], $0xffff  }
0x11d: {  	v2 =	vadd.f32 v2, v3;
	v3 =	vsub.f32 $1.000000000e+00, v18;
	v6 =	vmul.f32 v6, v18  }
0x11e: {  	v13 =	vadd.f32 v17, v13;
	v9 =	vmul.f32 v10, v55;
	v7 =	vmul.f32 v7, v19  }
0x11f: {  	[tilespmem:s24+$0xFFFFFFD0] =	vst v5;
	v3 =	vmul.f32 v12, v3;
	v58 =	vadd.f32 v54, v6;
	v59 =	vmul.f32 v11, v20  }
0x120: {  	[tilespmem:s24+$0xFFFFFFE0] =	vst v4;
	v61 =	vadd.f32 v13, v9;
	v8 =	vmul.f32 v8, v57;
	v7 =	vadd.f32 v56, v7  }
0x121: {  	s31 =	sadd.s32 $0x40, s24;
	[tilespmem:s24+$0xFFFFFFF0] =	vst v2;
	v3 =	vadd.f32 v58, v3;
	v2 =	vmul.f32 v14, v60;
	v62 =	vadd.f32 v21, v59  }
0x122: {  	[tilespmem:s31+$0x0] =	vst v61;
	v63 =	vadd.f32 v7, v8  }
0x123: {  	[tilespmem:s31+$0xFFFFFFD0] =	vst v3;
	v2 =	vadd.f32 v62, v2  }
0x124: {  	[tilespmem:s31+$0xFFFFFFE0] =	vst v63  }
0x125: {  	[tilespmem:s31+$0xFFFFFFF0] =	vst v2  }
0x126: {  	[hbm4b:s10+s2] =	stream.linear.scatter [tilespmem:s21], [sflag:$0x4], $0x200, $0x38;
	[tilespmem:$0x8980] =	vst v63  }
0x127: {  	_ =	swait.ge [sflag:s22], $0x200  }
0x128: {  	[sflag:s22] =	ssyncset.done $0x0  }
0x129: {  	s23 =	sadd.s32 $0x1, s23;
	[sflag:s22] =	ssyncadd.s32 $0xFFFFFE00  }
0x12a: {  	p0 =	sne.s32 s23, s11;
	_ =	swait.ge [sflag:s22], $0x200  }
.Ltmp4:
0x12b: {  	[sflag:s22] =	ssyncset.done $0x0;
	(pc) =	sbr.rel @p0 .LBB2_1-.Ltmp4, $4  }
0x12c: {  	[sflag:s22] =	ssyncadd.s32 $0xFFFFFE00  }
0x12d: {  	_ =	swait.ge [sflag:s22], $0x200  }
0x12e: {  	[sflag:s22] =	ssyncset.done $0x0  }
0x12f: {  	[sflag:s22] =	ssyncadd.s32 $0xFFFFFE00  }
0x130: {  	_ =	sfence.sel $0x180000  }
0x131: {  	[bflag:$0x0] =	sbarrier.arrive $0xFFFF  }
0x132: {  	_ =	strace $0x90000047  }
0x133: {  	[bflag:$0x2] =	sbarrier.arrive $0xFFFF  }
0x134: {  	p0 =	sne.s32 s1, $0x0;
	s0 =	rddreg [dreg:$0x3]  }
0x135: {  	s0 =	sadd.s32 @!p0 $0x100000, s0  }
0x136: {  	[sflag:s0] =	ssyncadd.tile.s32 @!p0 $0x1;
	_ =	shalt  }
.Lfunc_end2:
_tile_overlayer_lowered:
.L_overlay_start_2:
0x137: {  	(tag) =	ssettag $0x2  }
0x138: {  	s0 =	rddreg [dreg:$0x0];
	s2 =	stileid.u32  }
0x139: {  	s1 =	rddreg [dreg:$0x1];
	p0 =	sne.s32 s2, $0x0  }
0x13a: {  	s3 =	rddreg [dreg:$0x2];
	[bflag:$0x3] =	sbarrier.arrive $0xFFFF;
	s2 =	simm.s32 @!p0 $0x1C05  }
0x13b: {  	[timem:s3], [sflag:s2] =	dma.local @!p0 [hbm:s0], s1  }
0x13c: {  	s0 =	simm.s32 @!p0 $0x5  }
0x13d: {  	_ =	swait.ge @!p0 [sflag:s0], s1  }
0x13e: {  	s1 =	ssub.s32 @!p0 $0x0, s1;
	[sflag:s0] =	ssyncset.done @!p0 $0x0  }
0x13f: {  	[sflag:s0] =	ssyncadd.s32 @!p0 s1  }
0x140: {  	[bflag:$0x3] =	sbarrier.arrive $0xFFFF  }
0x141: {  	_ =	shalt  }

</sc_bundles>
